<compile_context>
chip_gen: v7x
topology: tpu7x:2x2x1
jax: 0.10.2.dev20260603
libtpu: 0.0.44.dev20260713+nightly
codegen_flags: <defaults>
</compile_context>

<pallas_src>
import jax
import jax.numpy as jnp
from jax import lax
from jax.experimental import pallas as pl
from jax.experimental.pallas import tpu as pltpu
from jax.experimental.pallas import tpu_sc as plsc

B = 2048
D = 768
E = 16
TOPK = 1
BLK = 128
NB = 32
P = NB * BLK
BA = 256
NC, NS = 2, 16
NW = NC * NS


def _gelu(x):
    return 0.5 * x * (1.0 + lax.erf(x * 0.7071067811865476))


def _fusion_body(v_ref, l_ref, s_ref, wf_ref, bf_ref, g_ref, bb_ref, wg_ref,
                 x_ref, ti_ref, ps_ref, cnt_ref):
    h = jnp.dot(v_ref[...], wf_ref[0:1024, :], preferred_element_type=jnp.float32)
    h += jnp.dot(l_ref[...], wf_ref[1024:1792, :], preferred_element_type=jnp.float32)
    h += jnp.dot(s_ref[...], wf_ref[1792:2048, :], preferred_element_type=jnp.float32)
    h = h + bf_ref[...]
    m = jnp.mean(h, axis=-1, keepdims=True)
    v = jnp.mean((h - m) ** 2, axis=-1, keepdims=True)
    h = (h - m) / jnp.sqrt(v + 1e-5) * g_ref[...] + bb_ref[...]
    x = _gelu(h)
    x_ref[...] = x
    lg = jnp.dot(x, wg_ref[...], preferred_element_type=jnp.float32)
    mx = jnp.max(lg, axis=-1, keepdims=True)
    ids = lax.broadcasted_iota(jnp.int32, lg.shape, 1)
    ti = jnp.min(jnp.where(lg >= mx, ids, E), axis=-1)
    ti_ref[0, 0, :] = ti
    p = jnp.exp(lg - mx)
    p = p / jnp.sum(p, axis=-1, keepdims=True)
    ps_ref[0, 0, :] = jnp.sum(p, axis=0)
    cnt_ref[0, 0, :] = jnp.sum((ids == ti[:, None]).astype(jnp.float32), axis=0)


def _fusion(vis, lang, state, W_f, b_f2, lnf_g2, lnf_b2, W_g):
    nblk = B // BA
    return pl.pallas_call(
        _fusion_body,
        grid=(nblk,),
        in_specs=[
            pl.BlockSpec((BA, 1024), lambda i: (i, 0)),
            pl.BlockSpec((BA, 768), lambda i: (i, 0)),
            pl.BlockSpec((BA, 256), lambda i: (i, 0)),
            pl.BlockSpec((2048, D), lambda i: (0, 0)),
            pl.BlockSpec((1, D), lambda i: (0, 0)),
            pl.BlockSpec((1, D), lambda i: (0, 0)),
            pl.BlockSpec((1, D), lambda i: (0, 0)),
            pl.BlockSpec((D, E), lambda i: (0, 0)),
        ],
        out_specs=[
            pl.BlockSpec((BA, D), lambda i: (i, 0)),
            pl.BlockSpec((1, 1, BA), lambda i: (i, 0, 0)),
            pl.BlockSpec((1, 1, E), lambda i: (i, 0, 0)),
            pl.BlockSpec((1, 1, E), lambda i: (i, 0, 0)),
        ],
        out_shape=[
            jax.ShapeDtypeStruct((B, D), jnp.float32),
            jax.ShapeDtypeStruct((nblk, 1, BA), jnp.int32),
            jax.ShapeDtypeStruct((nblk, 1, E), jnp.float32),
            jax.ShapeDtypeStruct((nblk, 1, E), jnp.float32),
        ],
    )(vis, lang, state, W_f, b_f2, lnf_g2, lnf_b2, W_g)


def _expert_body(eid_ref, size_ref, xs_ref, w1_ref, b1_ref, w2_ref, b2_ref,
                 w3_ref, b3_ref, g_ref, bb_ref, out_ref):
    i = pl.program_id(0)

    @pl.when(size_ref[i] > 0)
    def _():
        x = xs_ref[...]
        h = jnp.dot(x.astype(jnp.bfloat16), w1_ref[0].astype(jnp.bfloat16),
                    preferred_element_type=jnp.float32)
        h = _gelu(h + b1_ref[0])
        h = jnp.dot(h.astype(jnp.bfloat16), w2_ref[0].astype(jnp.bfloat16),
                    preferred_element_type=jnp.float32)
        h = _gelu(h + b2_ref[0])
        h = jnp.dot(h.astype(jnp.bfloat16), w3_ref[0].astype(jnp.bfloat16),
                    preferred_element_type=jnp.float32)
        y = x + h + b3_ref[0]
        m = jnp.mean(y, axis=-1, keepdims=True)
        v = jnp.mean((y - m) ** 2, axis=-1, keepdims=True)
        out_ref[...] = (y - m) / jnp.sqrt(v + 1e-5) * g_ref[0] + bb_ref[0]


def _experts(eids, sizes, xs, W1, b1r, W2, b2r, W3, b3r, ln_gr, ln_br):
    grid_spec = pltpu.PrefetchScalarGridSpec(
        num_scalar_prefetch=2,
        grid=(NB,),
        in_specs=[
            pl.BlockSpec((BLK, D), lambda i, e, s: (i, 0)),
            pl.BlockSpec((1, D, 2 * D), lambda i, e, s: (e[i], 0, 0)),
            pl.BlockSpec((1, 1, 2 * D), lambda i, e, s: (e[i], 0, 0)),
            pl.BlockSpec((1, 2 * D, D), lambda i, e, s: (e[i], 0, 0)),
            pl.BlockSpec((1, 1, D), lambda i, e, s: (e[i], 0, 0)),
            pl.BlockSpec((1, D, D), lambda i, e, s: (e[i], 0, 0)),
            pl.BlockSpec((1, 1, D), lambda i, e, s: (e[i], 0, 0)),
            pl.BlockSpec((1, 1, D), lambda i, e, s: (e[i], 0, 0)),
            pl.BlockSpec((1, 1, D), lambda i, e, s: (e[i], 0, 0)),
        ],
        out_specs=pl.BlockSpec((BLK, D), lambda i, e, s: (i, 0)),
    )
    return pl.pallas_call(
        _expert_body,
        grid_spec=grid_spec,
        out_shape=jax.ShapeDtypeStruct((P, D), jnp.float32),
    )(eids, sizes, xs, W1, b1r, W2, b2r, W3, b3r, ln_gr, ln_br)


def _dispatch_idx(ids_v, plan_v, idx_v):
    startv = plan_v[0]
    sizev = plan_v[1]
    spreadv = plan_v[2]
    for c in range(8):
        lane = lax.iota(jnp.int32, 16) + c * 16
        pos = jnp.clip(startv + lane, 0, B - 1)
        srcs = plsc.load_gather(ids_v, [pos])
        idx_v[pl.ds(c * 16, 16)] = jnp.where(lane < sizev, srcs, spreadv + lane)


def _sc_gather(x, sort_ids, plan):
    b_per_w = P // NW
    mesh = plsc.VectorSubcoreMesh(core_axis_name="c", subcore_axis_name="s")

    def body(x_hbm, ids_hbm, plan_hbm, out_hbm, ids_v, plan_v, idx_v, rows_v, sem):
        wid = lax.axis_index("s") * NC + lax.axis_index("c")
        base = wid * b_per_w
        pltpu.sync_copy(ids_hbm, ids_v)
        pltpu.sync_copy(plan_hbm.at[wid], plan_v)
        _dispatch_idx(ids_v, plan_v, idx_v)
        pltpu.async_copy(x_hbm.at[idx_v], rows_v, sem).wait()
        pltpu.sync_copy(rows_v, out_hbm.at[pl.ds(base, b_per_w)])

    return pl.kernel(
        body,
        out_type=jax.ShapeDtypeStruct((P, D), jnp.float32),
        mesh=mesh,
        scratch_types=[
            pltpu.VMEM((B,), jnp.int32),
            pltpu.VMEM((4, 16), jnp.int32),
            pltpu.VMEM((b_per_w,), jnp.int32),
            pltpu.VMEM((b_per_w, D), jnp.float32),
            pltpu.SemaphoreType.DMA,
        ],
        compiler_params=pltpu.CompilerParams(needs_layout_passes=False),
    )(x, sort_ids, plan)


def _sc_scatter(ys, sort_ids, plan):
    b_per_w = P // NW
    mesh = plsc.VectorSubcoreMesh(core_axis_name="c", subcore_axis_name="s")

    def body(ys_hbm, ids_hbm, plan_hbm, out_hbm, ids_v, plan_v, idx_v, rows_v, sem):
        wid = lax.axis_index("s") * NC + lax.axis_index("c")
        base = wid * b_per_w
        pltpu.sync_copy(ids_hbm, ids_v)
        pltpu.sync_copy(plan_hbm.at[wid], plan_v)
        _dispatch_idx(ids_v, plan_v, idx_v)
        pltpu.sync_copy(ys_hbm.at[pl.ds(base, b_per_w)], rows_v)
        pltpu.async_copy(rows_v, out_hbm.at[idx_v], sem).wait()

    return pl.kernel(
        body,
        out_type=jax.ShapeDtypeStruct((B + P, D), jnp.float32),
        mesh=mesh,
        scratch_types=[
            pltpu.VMEM((B,), jnp.int32),
            pltpu.VMEM((4, 16), jnp.int32),
            pltpu.VMEM((b_per_w,), jnp.int32),
            pltpu.VMEM((b_per_w, D), jnp.float32),
            pltpu.SemaphoreType.DMA,
        ],
        compiler_params=pltpu.CompilerParams(needs_layout_passes=False),
    )(ys, sort_ids, plan)


def kernel(vis, lang, state, W_f, b_f, lnf_g, lnf_b, W_g, W1, b1, W2, b2,
           W3, b3, ln_g, ln_b):
    x, ti3, ps3, cnt3 = _fusion(vis, lang, state, W_f, b_f.reshape(1, D),
                                lnf_g.reshape(1, D), lnf_b.reshape(1, D), W_g)
    top_idx = ti3.reshape(B)

    _, sort_ids = lax.sort_key_val(top_idx, jnp.arange(B, dtype=jnp.int32))
    counts_f = jnp.sum(cnt3.reshape(-1, E), axis=0)
    counts = counts_f.astype(jnp.int32)
    starts = jnp.cumsum(counts) - counts
    nb = (counts + BLK - 1) // BLK
    cum_nb = jnp.cumsum(nb).astype(jnp.int32)
    bids = jnp.arange(NB, dtype=jnp.int32)
    blk_e = jnp.searchsorted(cum_nb, bids, side="right").astype(jnp.int32)
    valid_blk = bids < cum_nb[-1]
    blk_e_c = jnp.minimum(blk_e, E - 1)
    j = bids - (cum_nb[blk_e_c] - nb[blk_e_c])
    blk_start = starts[blk_e_c] + j * BLK
    blk_size = jnp.clip(counts[blk_e_c] - j * BLK, 0, BLK)
    blk_size = jnp.where(valid_blk, blk_size, 0).astype(jnp.int32)
    last_e = jnp.max(jnp.where(counts > 0, jnp.arange(E, dtype=jnp.int32), 0))
    eids = jnp.where(valid_blk, blk_e_c, last_e).astype(jnp.int32)

    base_g = (bids * BLK) % B
    base_s = B + bids * BLK
    plan_g = jnp.broadcast_to(
        jnp.stack([blk_start, blk_size, base_g, base_g], axis=1)[:, :, None],
        (NB, 4, 16)).astype(jnp.int32)
    plan_s = jnp.broadcast_to(
        jnp.stack([blk_start, blk_size, base_s, base_s], axis=1)[:, :, None],
        (NB, 4, 16)).astype(jnp.int32)

    xs = _sc_gather(x, sort_ids, plan_g)
    ys = _experts(eids, blk_size, xs, W1, b1.reshape(E, 1, 2 * D), W2,
                  b2.reshape(E, 1, D), W3, b3.reshape(E, 1, D),
                  ln_g.reshape(E, 1, D), ln_b.reshape(E, 1, D))
    out = _sc_scatter(ys, sort_ids, plan_s)[:B]

    mean_probs = jnp.sum(ps3.reshape(-1, E), axis=0) / B
    lb_loss = E * jnp.sum(counts.astype(jnp.float32) / (B * TOPK) * mean_probs)
    return (out, lb_loss)

# --- scband reference (transcript-rebuilt; emitter-appended) ---
"""Pipeline reference for scband-fusion-mo-e-24395414241411 (READ-ONLY COPY).

The authoritative reference and input builder live on the scoring server;
editing this copy changes nothing except your own understanding.
"""

import jax, jax.numpy as jnp
import numpy as np

B = 2048
D_VIS, D_LANG, D_STATE = 1024, 768, 256
D_MODEL = 768
E = 16
TOPK = 1


def _ln(x, g, b):
    m = jnp.mean(x, axis=-1, keepdims=True)
    v = jnp.mean((x - m) ** 2, axis=-1, keepdims=True)
    return (x - m) / jnp.sqrt(v + 1e-5) * g + b


def setup_inputs(seed: int = 0):
    key = jax.random.key(seed)
    ks = jax.random.split(key, 16)
    d_in = D_VIS + D_LANG + D_STATE
    d = D_MODEL
    inp = {
        "vis": jax.random.normal(ks[0], (B, D_VIS), jnp.float32),
        "lang": jax.random.normal(ks[1], (B, D_LANG), jnp.float32),
        "state": jax.random.normal(ks[2], (B, D_STATE), jnp.float32),
        "W_f": jax.random.normal(ks[3], (d_in, d), jnp.float32) / np.sqrt(d_in),
        "b_f": jnp.zeros((d,), jnp.float32),
        "lnf_g": jnp.ones((d,), jnp.float32),
        "lnf_b": jnp.zeros((d,), jnp.float32),
        "W_g": jax.random.normal(ks[4], (d, E), jnp.float32) * 0.02,
        "W1": jax.random.normal(ks[5], (E, d, 2 * d), jnp.float32) / np.sqrt(d),
        "b1": jnp.zeros((E, 2 * d), jnp.float32),
        "W2": jax.random.normal(ks[6], (E, 2 * d, d), jnp.float32) / np.sqrt(2 * d),
        "b2": jnp.zeros((E, d), jnp.float32),
        "W3": jax.random.normal(ks[7], (E, d, d), jnp.float32) / np.sqrt(d),
        "b3": jnp.zeros((E, d), jnp.float32),
        "ln_g": jnp.ones((E, d), jnp.float32),
        "ln_b": jnp.zeros((E, d), jnp.float32),
    }
    return inp


def reference(vis, lang, state, W_f, b_f, lnf_g, lnf_b, W_g, W1, b1, W2, b2, W3, b3, ln_g, ln_b):
    # fusion: Linear -> LayerNorm -> GELU
    x = jnp.concatenate([vis, lang, state], axis=-1)
    x = _ln(x @ W_f + b_f, lnf_g, lnf_b)
    x = jax.nn.gelu(x, approximate=False)
    # gating
    logits = x @ W_g
    all_probs = jax.nn.softmax(logits, axis=-1)
    top_vals, top_idx = jax.lax.top_k(logits, TOPK)
    top_w = jax.nn.softmax(top_vals, axis=-1)
    # all experts densely (math identical to masked per-expert dispatch; dropout is eval/identity)
    h1 = jax.nn.gelu(jnp.einsum('bd,edh->ebh', x, W1) + b1[:, None, :], approximate=False)
    h2 = jax.nn.gelu(jnp.einsum('ebh,ehd->ebd', h1, W2) + b2[:, None, :], approximate=False)
    h3 = jnp.einsum('ebd,edf->ebf', h2, W3) + b3[:, None, :]
    y = _ln(x[None, :, :] + h3, ln_g[:, None, :], ln_b[:, None, :])  # [E, B, d]
    rows = jnp.arange(x.shape[0])
    out = jnp.zeros((x.shape[0], y.shape[-1]), x.dtype)
    for k in range(TOPK):
        out = out + top_w[:, k:k + 1] * y[top_idx[:, k], rows]
    # load-balancing loss
    counts = jnp.bincount(top_idx.reshape(-1), length=E).astype(x.dtype)
    f_i = counts / (x.shape[0] * TOPK)
    lb_loss = E * jnp.sum(f_i * jnp.mean(all_probs, axis=0))
    return (out, lb_loss)

if __name__ == "__main__":
    import jax
    _d = setup_inputs()
    print(jax.jit(kernel)(*tuple(_d.values())))

</pallas_src>

<mosaic_0001>
#map = affine_map<(d0, d1) -> (0, 0)>
#map1 = affine_map<(d0, d1) -> (0)>
#map2 = affine_map<(d0, d1) -> (0, 0, 0)>
module attributes {stable_mosaic.version = 14 : i64} {
  func.func @body(%arg0: i32, %arg1: i32, %arg2: memref<4096x768xf32, #tpu.memory_space<hbm>>, %arg3: memref<2048xi32, #tpu.memory_space<hbm>>, %arg4: memref<32x4x16xi32, #tpu.memory_space<hbm>>, %arg5: memref<6144x768xf32, #tpu.memory_space<hbm>>, %arg6: memref<2048xi32, #tpu.memory_space<vmem>>, %arg7: memref<4x16xi32, #tpu.memory_space<vmem>>, %arg8: memref<128xi32, #tpu.memory_space<vmem>>, %arg9: memref<128x768xf32, #tpu.memory_space<vmem>>, %arg10: memref<!tpu.dma_semaphore, #tpu.memory_space<semaphore_mem>>) attributes {dimension_semantics = [#tpu.dimension_semantics<core_parallel>, #tpu.dimension_semantics<subcore_parallel>], iteration_bounds = array<i64: 2, 16>, scalar_prefetch = 0 : i64, scratch_operands = 5 : i64, tpu.core_type = #tpu.core_type<sc_vector_subcore>, window_params = [{transform_indices = #map}, {transform_indices = #map1}, {transform_indices = #map2}, {transform_indices = #map}]} {
    %mul3A = arith.constant 2 : i32
    %mul3A_0 = arith.muli %arg1, %mul3A : i32
    %add3A = arith.addi %mul3A_0, %arg0 : i32
    %mul3A_1 = arith.constant 128 : i32
    %mul3A_2 = arith.muli %add3A, %mul3A_1 : i32
    "tpu.region"() ({
      %run_scoped3A = tpu.sem_alloc : memref<!tpu.dma_semaphore, #tpu.memory_space<semaphore_mem>>
      tpu.enqueue_dma source(%arg3 : memref<2048xi32, #tpu.memory_space<hbm>>) target(%arg6 : memref<2048xi32, #tpu.memory_space<vmem>>) target_semaphore(%run_scoped3A : memref<!tpu.dma_semaphore, #tpu.memory_space<semaphore_mem>>)
      tpu.wait_dma2 semaphore(%run_scoped3A : memref<!tpu.dma_semaphore, #tpu.memory_space<semaphore_mem>>) src(%arg3 : memref<2048xi32, #tpu.memory_space<hbm>>) dst(%arg6 : memref<2048xi32, #tpu.memory_space<vmem>>)
      tpu.yield
    }) : () -> ()
    "tpu.region"() ({
      %run_scoped3A = tpu.sem_alloc : memref<!tpu.dma_semaphore, #tpu.memory_space<semaphore_mem>>
      %dma_start3A_146 = arith.constant 0 : i32
      %dma_start3A_147 = arith.constant 0 : i32
      %dma_start3A_148 = tpu.memref_slice %arg4[%add3A, %dma_start3A_146, %dma_start3A_147] : memref<32x4x16xi32, #tpu.memory_space<hbm>> -> memref<1x4x16xi32, #tpu.memory_space<hbm>>
      %dma_start3A_149 = tpu.memref_squeeze %dma_start3A_148 : memref<1x4x16xi32, #tpu.memory_space<hbm>> -> memref<4x16xi32, #tpu.memory_space<hbm>>
      %dma_start3A_150 = arith.constant 0 : i32
      %dma_start3A_151 = arith.constant 0 : i32
      %dma_start3A_152 = tpu.memref_slice %arg4[%add3A, %dma_start3A_150, %dma_start3A_151] : memref<32x4x16xi32, #tpu.memory_space<hbm>> -> memref<1x4x16xi32, #tpu.memory_space<hbm>>
      %dma_start3A_153 = tpu.memref_squeeze %dma_start3A_152 : memref<1x4x16xi32, #tpu.memory_space<hbm>> -> memref<4x16xi32, #tpu.memory_space<hbm>>
      tpu.enqueue_dma source(%dma_start3A_153 : memref<4x16xi32, #tpu.memory_space<hbm>>) target(%arg7 : memref<4x16xi32, #tpu.memory_space<vmem>>) target_semaphore(%run_scoped3A : memref<!tpu.dma_semaphore, #tpu.memory_space<semaphore_mem>>)
      %dma_wait3A_154 = arith.constant 0 : i32
      %dma_wait3A_155 = arith.constant 0 : i32
      %dma_wait3A_156 = tpu.memref_slice %arg4[%add3A, %dma_wait3A_154, %dma_wait3A_155] : memref<32x4x16xi32, #tpu.memory_space<hbm>> -> memref<1x4x16xi32, #tpu.memory_space<hbm>>
      %dma_wait3A_157 = tpu.memref_squeeze %dma_wait3A_156 : memref<1x4x16xi32, #tpu.memory_space<hbm>> -> memref<4x16xi32, #tpu.memory_space<hbm>>
      %dma_wait3A_158 = arith.constant 0 : i32
      %dma_wait3A_159 = arith.constant 0 : i32
      %dma_wait3A_160 = tpu.memref_slice %arg4[%add3A, %dma_wait3A_158, %dma_wait3A_159] : memref<32x4x16xi32, #tpu.memory_space<hbm>> -> memref<1x4x16xi32, #tpu.memory_space<hbm>>
      %dma_wait3A_161 = tpu.memref_squeeze %dma_wait3A_160 : memref<1x4x16xi32, #tpu.memory_space<hbm>> -> memref<4x16xi32, #tpu.memory_space<hbm>>
      tpu.wait_dma2 semaphore(%run_scoped3A : memref<!tpu.dma_semaphore, #tpu.memory_space<semaphore_mem>>) src(%dma_wait3A_161 : memref<4x16xi32, #tpu.memory_space<hbm>>) dst(%arg7 : memref<4x16xi32, #tpu.memory_space<vmem>>)
      tpu.yield
    }) : () -> ()
    %get3A = arith.constant 0 : i32
    %get3A_3 = arith.index_cast %get3A : i32 to index
    %get3A_4 = arith.constant 0 : index
    %get3A_5 = tpu.vector_load %arg7[%get3A_3, %get3A_4] {strides = array<i32>} : memref<4x16xi32, #tpu.memory_space<vmem>>, vector<16xi32>,
    %get3A_6 = arith.constant 1 : i32
    %get3A_7 = arith.index_cast %get3A_6 : i32 to index
    %get3A_8 = arith.constant 0 : index
    %get3A_9 = tpu.vector_load %arg7[%get3A_7, %get3A_8] {strides = array<i32>} : memref<4x16xi32, #tpu.memory_space<vmem>>, vector<16xi32>,
    %get3A_10 = arith.constant 2 : i32
    %get3A_11 = arith.index_cast %get3A_10 : i32 to index
    %get3A_12 = arith.constant 0 : index
    %get3A_13 = tpu.vector_load %arg7[%get3A_11, %get3A_12] {strides = array<i32>} : memref<4x16xi32, #tpu.memory_space<vmem>>, vector<16xi32>,
    %iota3A = tpu.iota {dimensions = array<i32: 0>} : vector<16xi32>
    %add3A_14 = arith.constant 0 : i32
    %add3A_15 = vector.broadcast %add3A_14 : i32 to vector<16xi32>
    %add3A_16 = arith.addi %iota3A, %add3A_15 : vector<16xi32>
    %add3A_17 = arith.addi %get3A_5, %add3A_16 : vector<16xi32>
    %jit3A = arith.constant 0 : i32
    %jit3A_18 = arith.constant 2047 : i32
    %max3A = vector.broadcast %jit3A : i32 to vector<16xi32>
    %max3A_19 = arith.maxsi %max3A, %add3A_17 : vector<16xi32>
    %min3A = vector.broadcast %jit3A_18 : i32 to vector<16xi32>
    %min3A_20 = arith.minsi %min3A, %max3A_19 : vector<16xi32>
    %gather3A = tpu.vector_load_idx %arg6[%min3A_20] : memref<2048xi32, #tpu.memory_space<vmem>>[vector<16xi32>], vector<16xi32>,
    %lt3A = arith.cmpi slt, %add3A_16, %get3A_9 : vector<16xi32>
    %add3A_21 = arith.addi %get3A_13, %add3A_16 : vector<16xi32>
    %select_n3A = arith.select %lt3A, %gather3A, %add3A_21 : vector<16xi1>, vector<16xi32>
    %swap3A = arith.constant 0 : index
    %swap3A_22 = tpu.vector_load %arg8[%swap3A] {strides = array<i32>} : memref<128xi32, #tpu.memory_space<vmem>>, vector<16xi32>,
    tpu.vector_store %arg8[%swap3A], %select_n3A {strides = array<i32>} : memref<128xi32, #tpu.memory_space<vmem>>, vector<16xi32>,
    %iota3A_23 = tpu.iota {dimensions = array<i32: 0>} : vector<16xi32>
    %add3A_24 = arith.constant 16 : i32
    %add3A_25 = vector.broadcast %add3A_24 : i32 to vector<16xi32>
    %add3A_26 = arith.addi %iota3A_23, %add3A_25 : vector<16xi32>
    %add3A_27 = arith.addi %get3A_5, %add3A_26 : vector<16xi32>
    %jit3A_28 = arith.constant 0 : i32
    %jit3A_29 = arith.constant 2047 : i32
    %max3A_30 = vector.broadcast %jit3A_28 : i32 to vector<16xi32>
    %max3A_31 = arith.maxsi %max3A_30, %add3A_27 : vector<16xi32>
    %min3A_32 = vector.broadcast %jit3A_29 : i32 to vector<16xi32>
    %min3A_33 = arith.minsi %min3A_32, %max3A_31 : vector<16xi32>
    %gather3A_34 = tpu.vector_load_idx %arg6[%min3A_33] : memref<2048xi32, #tpu.memory_space<vmem>>[vector<16xi32>], vector<16xi32>,
    %lt3A_35 = arith.cmpi slt, %add3A_26, %get3A_9 : vector<16xi32>
    %add3A_36 = arith.addi %get3A_13, %add3A_26 : vector<16xi32>
    %select_n3A_37 = arith.select %lt3A_35, %gather3A_34, %add3A_36 : vector<16xi1>, vector<16xi32>
    %swap3A_38 = arith.constant 16 : index
    %swap3A_39 = tpu.vector_load %arg8[%swap3A_38] {strides = array<i32>} : memref<128xi32, #tpu.memory_space<vmem>>, vector<16xi32>,
    tpu.vector_store %arg8[%swap3A_38], %select_n3A_37 {strides = array<i32>} : memref<128xi32, #tpu.memory_space<vmem>>, vector<16xi32>,
    %iota3A_40 = tpu.iota {dimensions = array<i32: 0>} : vector<16xi32>
    %add3A_41 = arith.constant 32 : i32
    %add3A_42 = vector.broadcast %add3A_41 : i32 to vector<16xi32>
    %add3A_43 = arith.addi %iota3A_40, %add3A_42 : vector<16xi32>
    %add3A_44 = arith.addi %get3A_5, %add3A_43 : vector<16xi32>
    %jit3A_45 = arith.constant 0 : i32
    %jit3A_46 = arith.constant 2047 : i32
    %max3A_47 = vector.broadcast %jit3A_45 : i32 to vector<16xi32>
    %max3A_48 = arith.maxsi %max3A_47, %add3A_44 : vector<16xi32>
    %min3A_49 = vector.broadcast %jit3A_46 : i32 to vector<16xi32>
    %min3A_50 = arith.minsi %min3A_49, %max3A_48 : vector<16xi32>
    %gather3A_51 = tpu.vector_load_idx %arg6[%min3A_50] : memref<2048xi32, #tpu.memory_space<vmem>>[vector<16xi32>], vector<16xi32>,
    %lt3A_52 = arith.cmpi slt, %add3A_43, %get3A_9 : vector<16xi32>
    %add3A_53 = arith.addi %get3A_13, %add3A_43 : vector<16xi32>
    %select_n3A_54 = arith.select %lt3A_52, %gather3A_51, %add3A_53 : vector<16xi1>, vector<16xi32>
    %swap3A_55 = arith.constant 32 : index
    %swap3A_56 = tpu.vector_load %arg8[%swap3A_55] {strides = array<i32>} : memref<128xi32, #tpu.memory_space<vmem>>, vector<16xi32>,
    tpu.vector_store %arg8[%swap3A_55], %select_n3A_54 {strides = array<i32>} : memref<128xi32, #tpu.memory_space<vmem>>, vector<16xi32>,
    %iota3A_57 = tpu.iota {dimensions = array<i32: 0>} : vector<16xi32>
    %add3A_58 = arith.constant 48 : i32
    %add3A_59 = vector.broadcast %add3A_58 : i32 to vector<16xi32>
    %add3A_60 = arith.addi %iota3A_57, %add3A_59 : vector<16xi32>
    %add3A_61 = arith.addi %get3A_5, %add3A_60 : vector<16xi32>
    %jit3A_62 = arith.constant 0 : i32
    %jit3A_63 = arith.constant 2047 : i32
    %max3A_64 = vector.broadcast %jit3A_62 : i32 to vector<16xi32>
    %max3A_65 = arith.maxsi %max3A_64, %add3A_61 : vector<16xi32>
    %min3A_66 = vector.broadcast %jit3A_63 : i32 to vector<16xi32>
    %min3A_67 = arith.minsi %min3A_66, %max3A_65 : vector<16xi32>
    %gather3A_68 = tpu.vector_load_idx %arg6[%min3A_67] : memref<2048xi32, #tpu.memory_space<vmem>>[vector<16xi32>], vector<16xi32>,
    %lt3A_69 = arith.cmpi slt, %add3A_60, %get3A_9 : vector<16xi32>
    %add3A_70 = arith.addi %get3A_13, %add3A_60 : vector<16xi32>
    %select_n3A_71 = arith.select %lt3A_69, %gather3A_68, %add3A_70 : vector<16xi1>, vector<16xi32>
    %swap3A_72 = arith.constant 48 : index
    %swap3A_73 = tpu.vector_load %arg8[%swap3A_72] {strides = array<i32>} : memref<128xi32, #tpu.memory_space<vmem>>, vector<16xi32>,
    tpu.vector_store %arg8[%swap3A_72], %select_n3A_71 {strides = array<i32>} : memref<128xi32, #tpu.memory_space<vmem>>, vector<16xi32>,
    %iota3A_74 = tpu.iota {dimensions = array<i32: 0>} : vector<16xi32>
    %add3A_75 = arith.constant 64 : i32
    %add3A_76 = vector.broadcast %add3A_75 : i32 to vector<16xi32>
    %add3A_77 = arith.addi %iota3A_74, %add3A_76 : vector<16xi32>
    %add3A_78 = arith.addi %get3A_5, %add3A_77 : vector<16xi32>
    %jit3A_79 = arith.constant 0 : i32
    %jit3A_80 = arith.constant 2047 : i32
    %max3A_81 = vector.broadcast %jit3A_79 : i32 to vector<16xi32>
    %max3A_82 = arith.maxsi %max3A_81, %add3A_78 : vector<16xi32>
    %min3A_83 = vector.broadcast %jit3A_80 : i32 to vector<16xi32>
    %min3A_84 = arith.minsi %min3A_83, %max3A_82 : vector<16xi32>
    %gather3A_85 = tpu.vector_load_idx %arg6[%min3A_84] : memref<2048xi32, #tpu.memory_space<vmem>>[vector<16xi32>], vector<16xi32>,
    %lt3A_86 = arith.cmpi slt, %add3A_77, %get3A_9 : vector<16xi32>
    %add3A_87 = arith.addi %get3A_13, %add3A_77 : vector<16xi32>
    %select_n3A_88 = arith.select %lt3A_86, %gather3A_85, %add3A_87 : vector<16xi1>, vector<16xi32>
    %swap3A_89 = arith.constant 64 : index
    %swap3A_90 = tpu.vector_load %arg8[%swap3A_89] {strides = array<i32>} : memref<128xi32, #tpu.memory_space<vmem>>, vector<16xi32>,
    tpu.vector_store %arg8[%swap3A_89], %select_n3A_88 {strides = array<i32>} : memref<128xi32, #tpu.memory_space<vmem>>, vector<16xi32>,
    %iota3A_91 = tpu.iota {dimensions = array<i32: 0>} : vector<16xi32>
    %add3A_92 = arith.constant 80 : i32
    %add3A_93 = vector.broadcast %add3A_92 : i32 to vector<16xi32>
    %add3A_94 = arith.addi %iota3A_91, %add3A_93 : vector<16xi32>
    %add3A_95 = arith.addi %get3A_5, %add3A_94 : vector<16xi32>
    %jit3A_96 = arith.constant 0 : i32
    %jit3A_97 = arith.constant 2047 : i32
    %max3A_98 = vector.broadcast %jit3A_96 : i32 to vector<16xi32>
    %max3A_99 = arith.maxsi %max3A_98, %add3A_95 : vector<16xi32>
    %min3A_100 = vector.broadcast %jit3A_97 : i32 to vector<16xi32>
    %min3A_101 = arith.minsi %min3A_100, %max3A_99 : vector<16xi32>
    %gather3A_102 = tpu.vector_load_idx %arg6[%min3A_101] : memref<2048xi32, #tpu.memory_space<vmem>>[vector<16xi32>], vector<16xi32>,
    %lt3A_103 = arith.cmpi slt, %add3A_94, %get3A_9 : vector<16xi32>
    %add3A_104 = arith.addi %get3A_13, %add3A_94 : vector<16xi32>
    %select_n3A_105 = arith.select %lt3A_103, %gather3A_102, %add3A_104 : vector<16xi1>, vector<16xi32>
    %swap3A_106 = arith.constant 80 : index
    %swap3A_107 = tpu.vector_load %arg8[%swap3A_106] {strides = array<i32>} : memref<128xi32, #tpu.memory_space<vmem>>, vector<16xi32>,
    tpu.vector_store %arg8[%swap3A_106], %select_n3A_105 {strides = array<i32>} : memref<128xi32, #tpu.memory_space<vmem>>, vector<16xi32>,
    %iota3A_108 = tpu.iota {dimensions = array<i32: 0>} : vector<16xi32>
    %add3A_109 = arith.constant 96 : i32
    %add3A_110 = vector.broadcast %add3A_109 : i32 to vector<16xi32>
    %add3A_111 = arith.addi %iota3A_108, %add3A_110 : vector<16xi32>
    %add3A_112 = arith.addi %get3A_5, %add3A_111 : vector<16xi32>
    %jit3A_113 = arith.constant 0 : i32
    %jit3A_114 = arith.constant 2047 : i32
    %max3A_115 = vector.broadcast %jit3A_113 : i32 to vector<16xi32>
    %max3A_116 = arith.maxsi %max3A_115, %add3A_112 : vector<16xi32>
    %min3A_117 = vector.broadcast %jit3A_114 : i32 to vector<16xi32>
    %min3A_118 = arith.minsi %min3A_117, %max3A_116 : vector<16xi32>
    %gather3A_119 = tpu.vector_load_idx %arg6[%min3A_118] : memref<2048xi32, #tpu.memory_space<vmem>>[vector<16xi32>], vector<16xi32>,
    %lt3A_120 = arith.cmpi slt, %add3A_111, %get3A_9 : vector<16xi32>
    %add3A_121 = arith.addi %get3A_13, %add3A_111 : vector<16xi32>
    %select_n3A_122 = arith.select %lt3A_120, %gather3A_119, %add3A_121 : vector<16xi1>, vector<16xi32>
    %swap3A_123 = arith.constant 96 : index
    %swap3A_124 = tpu.vector_load %arg8[%swap3A_123] {strides = array<i32>} : memref<128xi32, #tpu.memory_space<vmem>>, vector<16xi32>,
    tpu.vector_store %arg8[%swap3A_123], %select_n3A_122 {strides = array<i32>} : memref<128xi32, #tpu.memory_space<vmem>>, vector<16xi32>,
    %iota3A_125 = tpu.iota {dimensions = array<i32: 0>} : vector<16xi32>
    %add3A_126 = arith.constant 112 : i32
    %add3A_127 = vector.broadcast %add3A_126 : i32 to vector<16xi32>
    %add3A_128 = arith.addi %iota3A_125, %add3A_127 : vector<16xi32>
    %add3A_129 = arith.addi %get3A_5, %add3A_128 : vector<16xi32>
    %jit3A_130 = arith.constant 0 : i32
    %jit3A_131 = arith.constant 2047 : i32
    %max3A_132 = vector.broadcast %jit3A_130 : i32 to vector<16xi32>
    %max3A_133 = arith.maxsi %max3A_132, %add3A_129 : vector<16xi32>
    %min3A_134 = vector.broadcast %jit3A_131 : i32 to vector<16xi32>
    %min3A_135 = arith.minsi %min3A_134, %max3A_133 : vector<16xi32>
    %gather3A_136 = tpu.vector_load_idx %arg6[%min3A_135] : memref<2048xi32, #tpu.memory_space<vmem>>[vector<16xi32>], vector<16xi32>,
    %lt3A_137 = arith.cmpi slt, %add3A_128, %get3A_9 : vector<16xi32>
    %add3A_138 = arith.addi %get3A_13, %add3A_128 : vector<16xi32>
    %select_n3A_139 = arith.select %lt3A_137, %gather3A_136, %add3A_138 : vector<16xi1>, vector<16xi32>
    %swap3A_140 = arith.constant 112 : index
    %swap3A_141 = tpu.vector_load %arg8[%swap3A_140] {strides = array<i32>} : memref<128xi32, #tpu.memory_space<vmem>>, vector<16xi32>,
    tpu.vector_store %arg8[%swap3A_140], %select_n3A_139 {strides = array<i32>} : memref<128xi32, #tpu.memory_space<vmem>>, vector<16xi32>,
    "tpu.region"() ({
      %run_scoped3A = tpu.sem_alloc : memref<!tpu.dma_semaphore, #tpu.memory_space<semaphore_mem>>
      %dma_start3A_146 = arith.constant 0 : i32
      %dma_start3A_147 = tpu.memref_slice %arg2[%mul3A_2, %dma_start3A_146] : memref<4096x768xf32, #tpu.memory_space<hbm>> -> memref<128x768xf32, #tpu.memory_space<hbm>>
      %dma_start3A_148 = arith.constant 0 : i32
      %dma_start3A_149 = tpu.memref_slice %arg2[%mul3A_2, %dma_start3A_148] : memref<4096x768xf32, #tpu.memory_space<hbm>> -> memref<128x768xf32, #tpu.memory_space<hbm>>
      tpu.enqueue_dma source(%dma_start3A_149 : memref<128x768xf32, #tpu.memory_space<hbm>>) target(%arg9 : memref<128x768xf32, #tpu.memory_space<vmem>>) target_semaphore(%run_scoped3A : memref<!tpu.dma_semaphore, #tpu.memory_space<semaphore_mem>>)
      %dma_wait3A_150 = arith.constant 0 : i32
      %dma_wait3A_151 = tpu.memref_slice %arg2[%mul3A_2, %dma_wait3A_150] : memref<4096x768xf32, #tpu.memory_space<hbm>> -> memref<128x768xf32, #tpu.memory_space<hbm>>
      %dma_wait3A_152 = arith.constant 0 : i32
      %dma_wait3A_153 = tpu.memref_slice %arg2[%mul3A_2, %dma_wait3A_152] : memref<4096x768xf32, #tpu.memory_space<hbm>> -> memref<128x768xf32, #tpu.memory_space<hbm>>
      tpu.wait_dma2 semaphore(%run_scoped3A : memref<!tpu.dma_semaphore, #tpu.memory_space<semaphore_mem>>) src(%dma_wait3A_153 : memref<128x768xf32, #tpu.memory_space<hbm>>) dst(%arg9 : memref<128x768xf32, #tpu.memory_space<vmem>>)
      tpu.yield
    }) : () -> ()
    %dma_start3A = arith.constant 0 : i32
    %dma_start3A_142 = arith.constant 0 : i32
    %dma_start3A_143 = tpu.memref_slice %arg5[%dma_start3A, %dma_start3A_142] : memref<6144x768xf32, #tpu.memory_space<hbm>> -> memref<6144x768xf32, #tpu.memory_space<hbm>>
    tpu.enqueue_indirect_dma source(%arg9 : memref<128x768xf32, #tpu.memory_space<vmem>>) target(%dma_start3A_143 : memref<6144x768xf32, #tpu.memory_space<hbm>>) offsets(%arg8 : memref<128xi32, #tpu.memory_space<vmem>>) semaphore(%arg10 : memref<!tpu.dma_semaphore, #tpu.memory_space<semaphore_mem>>)
    %dma_wait3A = arith.constant 0 : i32
    %dma_wait3A_144 = arith.constant 0 : i32
    %dma_wait3A_145 = tpu.memref_slice %arg5[%dma_wait3A, %dma_wait3A_144] : memref<6144x768xf32, #tpu.memory_space<hbm>> -> memref<6144x768xf32, #tpu.memory_space<hbm>>
    tpu.wait_indirect_dma semaphore(%arg10 : memref<!tpu.dma_semaphore, #tpu.memory_space<semaphore_mem>>) src(%arg9 : memref<128x768xf32, #tpu.memory_space<vmem>>) dst(%dma_wait3A_145 : memref<6144x768xf32, #tpu.memory_space<hbm>>)
    return
  }
}

#map = affine_map<(d0, d1) -> (0, 0)>
#map1 = affine_map<(d0, d1) -> (0)>
#map2 = affine_map<(d0, d1) -> (0, 0, 0)>
module attributes {stable_mosaic.version = 14 : i64} {
  func.func @body(%arg0: i32, %arg1: i32, %arg2: memref<2048x768xf32, #tpu.memory_space<hbm>>, %arg3: memref<2048xi32, #tpu.memory_space<hbm>>, %arg4: memref<32x4x16xi32, #tpu.memory_space<hbm>>, %arg5: memref<4096x768xf32, #tpu.memory_space<hbm>>, %arg6: memref<2048xi32, #tpu.memory_space<vmem>>, %arg7: memref<4x16xi32, #tpu.memory_space<vmem>>, %arg8: memref<128xi32, #tpu.memory_space<vmem>>, %arg9: memref<128x768xf32, #tpu.memory_space<vmem>>, %arg10: memref<!tpu.dma_semaphore, #tpu.memory_space<semaphore_mem>>) attributes {dimension_semantics = [#tpu.dimension_semantics<core_parallel>, #tpu.dimension_semantics<subcore_parallel>], iteration_bounds = array<i64: 2, 16>, scalar_prefetch = 0 : i64, scratch_operands = 5 : i64, tpu.core_type = #tpu.core_type<sc_vector_subcore>, window_params = [{transform_indices = #map}, {transform_indices = #map1}, {transform_indices = #map2}, {transform_indices = #map}]} {
    %mul3A = arith.constant 2 : i32
    %mul3A_0 = arith.muli %arg1, %mul3A : i32
    %add3A = arith.addi %mul3A_0, %arg0 : i32
    %mul3A_1 = arith.constant 128 : i32
    %mul3A_2 = arith.muli %add3A, %mul3A_1 : i32
    "tpu.region"() ({
      %run_scoped3A = tpu.sem_alloc : memref<!tpu.dma_semaphore, #tpu.memory_space<semaphore_mem>>
      tpu.enqueue_dma source(%arg3 : memref<2048xi32, #tpu.memory_space<hbm>>) target(%arg6 : memref<2048xi32, #tpu.memory_space<vmem>>) target_semaphore(%run_scoped3A : memref<!tpu.dma_semaphore, #tpu.memory_space<semaphore_mem>>)
      tpu.wait_dma2 semaphore(%run_scoped3A : memref<!tpu.dma_semaphore, #tpu.memory_space<semaphore_mem>>) src(%arg3 : memref<2048xi32, #tpu.memory_space<hbm>>) dst(%arg6 : memref<2048xi32, #tpu.memory_space<vmem>>)
      tpu.yield
    }) : () -> ()
    "tpu.region"() ({
      %run_scoped3A = tpu.sem_alloc : memref<!tpu.dma_semaphore, #tpu.memory_space<semaphore_mem>>
      %dma_start3A_146 = arith.constant 0 : i32
      %dma_start3A_147 = arith.constant 0 : i32
      %dma_start3A_148 = tpu.memref_slice %arg4[%add3A, %dma_start3A_146, %dma_start3A_147] : memref<32x4x16xi32, #tpu.memory_space<hbm>> -> memref<1x4x16xi32, #tpu.memory_space<hbm>>
      %dma_start3A_149 = tpu.memref_squeeze %dma_start3A_148 : memref<1x4x16xi32, #tpu.memory_space<hbm>> -> memref<4x16xi32, #tpu.memory_space<hbm>>
      %dma_start3A_150 = arith.constant 0 : i32
      %dma_start3A_151 = arith.constant 0 : i32
      %dma_start3A_152 = tpu.memref_slice %arg4[%add3A, %dma_start3A_150, %dma_start3A_151] : memref<32x4x16xi32, #tpu.memory_space<hbm>> -> memref<1x4x16xi32, #tpu.memory_space<hbm>>
      %dma_start3A_153 = tpu.memref_squeeze %dma_start3A_152 : memref<1x4x16xi32, #tpu.memory_space<hbm>> -> memref<4x16xi32, #tpu.memory_space<hbm>>
      tpu.enqueue_dma source(%dma_start3A_153 : memref<4x16xi32, #tpu.memory_space<hbm>>) target(%arg7 : memref<4x16xi32, #tpu.memory_space<vmem>>) target_semaphore(%run_scoped3A : memref<!tpu.dma_semaphore, #tpu.memory_space<semaphore_mem>>)
      %dma_wait3A_154 = arith.constant 0 : i32
      %dma_wait3A_155 = arith.constant 0 : i32
      %dma_wait3A_156 = tpu.memref_slice %arg4[%add3A, %dma_wait3A_154, %dma_wait3A_155] : memref<32x4x16xi32, #tpu.memory_space<hbm>> -> memref<1x4x16xi32, #tpu.memory_space<hbm>>
      %dma_wait3A_157 = tpu.memref_squeeze %dma_wait3A_156 : memref<1x4x16xi32, #tpu.memory_space<hbm>> -> memref<4x16xi32, #tpu.memory_space<hbm>>
      %dma_wait3A_158 = arith.constant 0 : i32
      %dma_wait3A_159 = arith.constant 0 : i32
      %dma_wait3A_160 = tpu.memref_slice %arg4[%add3A, %dma_wait3A_158, %dma_wait3A_159] : memref<32x4x16xi32, #tpu.memory_space<hbm>> -> memref<1x4x16xi32, #tpu.memory_space<hbm>>
      %dma_wait3A_161 = tpu.memref_squeeze %dma_wait3A_160 : memref<1x4x16xi32, #tpu.memory_space<hbm>> -> memref<4x16xi32, #tpu.memory_space<hbm>>
      tpu.wait_dma2 semaphore(%run_scoped3A : memref<!tpu.dma_semaphore, #tpu.memory_space<semaphore_mem>>) src(%dma_wait3A_161 : memref<4x16xi32, #tpu.memory_space<hbm>>) dst(%arg7 : memref<4x16xi32, #tpu.memory_space<vmem>>)
      tpu.yield
    }) : () -> ()
    %get3A = arith.constant 0 : i32
    %get3A_3 = arith.index_cast %get3A : i32 to index
    %get3A_4 = arith.constant 0 : index
    %get3A_5 = tpu.vector_load %arg7[%get3A_3, %get3A_4] {strides = array<i32>} : memref<4x16xi32, #tpu.memory_space<vmem>>, vector<16xi32>,
    %get3A_6 = arith.constant 1 : i32
    %get3A_7 = arith.index_cast %get3A_6 : i32 to index
    %get3A_8 = arith.constant 0 : index
    %get3A_9 = tpu.vector_load %arg7[%get3A_7, %get3A_8] {strides = array<i32>} : memref<4x16xi32, #tpu.memory_space<vmem>>, vector<16xi32>,
    %get3A_10 = arith.constant 2 : i32
    %get3A_11 = arith.index_cast %get3A_10 : i32 to index
    %get3A_12 = arith.constant 0 : index
    %get3A_13 = tpu.vector_load %arg7[%get3A_11, %get3A_12] {strides = array<i32>} : memref<4x16xi32, #tpu.memory_space<vmem>>, vector<16xi32>,
    %iota3A = tpu.iota {dimensions = array<i32: 0>} : vector<16xi32>
    %add3A_14 = arith.constant 0 : i32
    %add3A_15 = vector.broadcast %add3A_14 : i32 to vector<16xi32>
    %add3A_16 = arith.addi %iota3A, %add3A_15 : vector<16xi32>
    %add3A_17 = arith.addi %get3A_5, %add3A_16 : vector<16xi32>
    %jit3A = arith.constant 0 : i32
    %jit3A_18 = arith.constant 2047 : i32
    %max3A = vector.broadcast %jit3A : i32 to vector<16xi32>
    %max3A_19 = arith.maxsi %max3A, %add3A_17 : vector<16xi32>
    %min3A = vector.broadcast %jit3A_18 : i32 to vector<16xi32>
    %min3A_20 = arith.minsi %min3A, %max3A_19 : vector<16xi32>
    %gather3A = tpu.vector_load_idx %arg6[%min3A_20] : memref<2048xi32, #tpu.memory_space<vmem>>[vector<16xi32>], vector<16xi32>,
    %lt3A = arith.cmpi slt, %add3A_16, %get3A_9 : vector<16xi32>
    %add3A_21 = arith.addi %get3A_13, %add3A_16 : vector<16xi32>
    %select_n3A = arith.select %lt3A, %gather3A, %add3A_21 : vector<16xi1>, vector<16xi32>
    %swap3A = arith.constant 0 : index
    %swap3A_22 = tpu.vector_load %arg8[%swap3A] {strides = array<i32>} : memref<128xi32, #tpu.memory_space<vmem>>, vector<16xi32>,
    tpu.vector_store %arg8[%swap3A], %select_n3A {strides = array<i32>} : memref<128xi32, #tpu.memory_space<vmem>>, vector<16xi32>,
    %iota3A_23 = tpu.iota {dimensions = array<i32: 0>} : vector<16xi32>
    %add3A_24 = arith.constant 16 : i32
    %add3A_25 = vector.broadcast %add3A_24 : i32 to vector<16xi32>
    %add3A_26 = arith.addi %iota3A_23, %add3A_25 : vector<16xi32>
    %add3A_27 = arith.addi %get3A_5, %add3A_26 : vector<16xi32>
    %jit3A_28 = arith.constant 0 : i32
    %jit3A_29 = arith.constant 2047 : i32
    %max3A_30 = vector.broadcast %jit3A_28 : i32 to vector<16xi32>
    %max3A_31 = arith.maxsi %max3A_30, %add3A_27 : vector<16xi32>
    %min3A_32 = vector.broadcast %jit3A_29 : i32 to vector<16xi32>
    %min3A_33 = arith.minsi %min3A_32, %max3A_31 : vector<16xi32>
    %gather3A_34 = tpu.vector_load_idx %arg6[%min3A_33] : memref<2048xi32, #tpu.memory_space<vmem>>[vector<16xi32>], vector<16xi32>,
    %lt3A_35 = arith.cmpi slt, %add3A_26, %get3A_9 : vector<16xi32>
    %add3A_36 = arith.addi %get3A_13, %add3A_26 : vector<16xi32>
    %select_n3A_37 = arith.select %lt3A_35, %gather3A_34, %add3A_36 : vector<16xi1>, vector<16xi32>
    %swap3A_38 = arith.constant 16 : index
    %swap3A_39 = tpu.vector_load %arg8[%swap3A_38] {strides = array<i32>} : memref<128xi32, #tpu.memory_space<vmem>>, vector<16xi32>,
    tpu.vector_store %arg8[%swap3A_38], %select_n3A_37 {strides = array<i32>} : memref<128xi32, #tpu.memory_space<vmem>>, vector<16xi32>,
    %iota3A_40 = tpu.iota {dimensions = array<i32: 0>} : vector<16xi32>
    %add3A_41 = arith.constant 32 : i32
    %add3A_42 = vector.broadcast %add3A_41 : i32 to vector<16xi32>
    %add3A_43 = arith.addi %iota3A_40, %add3A_42 : vector<16xi32>
    %add3A_44 = arith.addi %get3A_5, %add3A_43 : vector<16xi32>
    %jit3A_45 = arith.constant 0 : i32
    %jit3A_46 = arith.constant 2047 : i32
    %max3A_47 = vector.broadcast %jit3A_45 : i32 to vector<16xi32>
    %max3A_48 = arith.maxsi %max3A_47, %add3A_44 : vector<16xi32>
    %min3A_49 = vector.broadcast %jit3A_46 : i32 to vector<16xi32>
    %min3A_50 = arith.minsi %min3A_49, %max3A_48 : vector<16xi32>
    %gather3A_51 = tpu.vector_load_idx %arg6[%min3A_50] : memref<2048xi32, #tpu.memory_space<vmem>>[vector<16xi32>], vector<16xi32>,
    %lt3A_52 = arith.cmpi slt, %add3A_43, %get3A_9 : vector<16xi32>
    %add3A_53 = arith.addi %get3A_13, %add3A_43 : vector<16xi32>
    %select_n3A_54 = arith.select %lt3A_52, %gather3A_51, %add3A_53 : vector<16xi1>, vector<16xi32>
    %swap3A_55 = arith.constant 32 : index
    %swap3A_56 = tpu.vector_load %arg8[%swap3A_55] {strides = array<i32>} : memref<128xi32, #tpu.memory_space<vmem>>, vector<16xi32>,
    tpu.vector_store %arg8[%swap3A_55], %select_n3A_54 {strides = array<i32>} : memref<128xi32, #tpu.memory_space<vmem>>, vector<16xi32>,
    %iota3A_57 = tpu.iota {dimensions = array<i32: 0>} : vector<16xi32>
    %add3A_58 = arith.constant 48 : i32
    %add3A_59 = vector.broadcast %add3A_58 : i32 to vector<16xi32>
    %add3A_60 = arith.addi %iota3A_57, %add3A_59 : vector<16xi32>
    %add3A_61 = arith.addi %get3A_5, %add3A_60 : vector<16xi32>
    %jit3A_62 = arith.constant 0 : i32
    %jit3A_63 = arith.constant 2047 : i32
    %max3A_64 = vector.broadcast %jit3A_62 : i32 to vector<16xi32>
    %max3A_65 = arith.maxsi %max3A_64, %add3A_61 : vector<16xi32>
    %min3A_66 = vector.broadcast %jit3A_63 : i32 to vector<16xi32>
    %min3A_67 = arith.minsi %min3A_66, %max3A_65 : vector<16xi32>
    %gather3A_68 = tpu.vector_load_idx %arg6[%min3A_67] : memref<2048xi32, #tpu.memory_space<vmem>>[vector<16xi32>], vector<16xi32>,
    %lt3A_69 = arith.cmpi slt, %add3A_60, %get3A_9 : vector<16xi32>
    %add3A_70 = arith.addi %get3A_13, %add3A_60 : vector<16xi32>
    %select_n3A_71 = arith.select %lt3A_69, %gather3A_68, %add3A_70 : vector<16xi1>, vector<16xi32>
    %swap3A_72 = arith.constant 48 : index
    %swap3A_73 = tpu.vector_load %arg8[%swap3A_72] {strides = array<i32>} : memref<128xi32, #tpu.memory_space<vmem>>, vector<16xi32>,
    tpu.vector_store %arg8[%swap3A_72], %select_n3A_71 {strides = array<i32>} : memref<128xi32, #tpu.memory_space<vmem>>, vector<16xi32>,
    %iota3A_74 = tpu.iota {dimensions = array<i32: 0>} : vector<16xi32>
    %add3A_75 = arith.constant 64 : i32
    %add3A_76 = vector.broadcast %add3A_75 : i32 to vector<16xi32>
    %add3A_77 = arith.addi %iota3A_74, %add3A_76 : vector<16xi32>
    %add3A_78 = arith.addi %get3A_5, %add3A_77 : vector<16xi32>
    %jit3A_79 = arith.constant 0 : i32
    %jit3A_80 = arith.constant 2047 : i32
    %max3A_81 = vector.broadcast %jit3A_79 : i32 to vector<16xi32>
    %max3A_82 = arith.maxsi %max3A_81, %add3A_78 : vector<16xi32>
    %min3A_83 = vector.broadcast %jit3A_80 : i32 to vector<16xi32>
    %min3A_84 = arith.minsi %min3A_83, %max3A_82 : vector<16xi32>
    %gather3A_85 = tpu.vector_load_idx %arg6[%min3A_84] : memref<2048xi32, #tpu.memory_space<vmem>>[vector<16xi32>], vector<16xi32>,
    %lt3A_86 = arith.cmpi slt, %add3A_77, %get3A_9 : vector<16xi32>
    %add3A_87 = arith.addi %get3A_13, %add3A_77 : vector<16xi32>
    %select_n3A_88 = arith.select %lt3A_86, %gather3A_85, %add3A_87 : vector<16xi1>, vector<16xi32>
    %swap3A_89 = arith.constant 64 : index
    %swap3A_90 = tpu.vector_load %arg8[%swap3A_89] {strides = array<i32>} : memref<128xi32, #tpu.memory_space<vmem>>, vector<16xi32>,
    tpu.vector_store %arg8[%swap3A_89], %select_n3A_88 {strides = array<i32>} : memref<128xi32, #tpu.memory_space<vmem>>, vector<16xi32>,
    %iota3A_91 = tpu.iota {dimensions = array<i32: 0>} : vector<16xi32>
    %add3A_92 = arith.constant 80 : i32
    %add3A_93 = vector.broadcast %add3A_92 : i32 to vector<16xi32>
    %add3A_94 = arith.addi %iota3A_91, %add3A_93 : vector<16xi32>
    %add3A_95 = arith.addi %get3A_5, %add3A_94 : vector<16xi32>
    %jit3A_96 = arith.constant 0 : i32
    %jit3A_97 = arith.constant 2047 : i32
    %max3A_98 = vector.broadcast %jit3A_96 : i32 to vector<16xi32>
    %max3A_99 = arith.maxsi %max3A_98, %add3A_95 : vector<16xi32>
    %min3A_100 = vector.broadcast %jit3A_97 : i32 to vector<16xi32>
    %min3A_101 = arith.minsi %min3A_100, %max3A_99 : vector<16xi32>
    %gather3A_102 = tpu.vector_load_idx %arg6[%min3A_101] : memref<2048xi32, #tpu.memory_space<vmem>>[vector<16xi32>], vector<16xi32>,
    %lt3A_103 = arith.cmpi slt, %add3A_94, %get3A_9 : vector<16xi32>
    %add3A_104 = arith.addi %get3A_13, %add3A_94 : vector<16xi32>
    %select_n3A_105 = arith.select %lt3A_103, %gather3A_102, %add3A_104 : vector<16xi1>, vector<16xi32>
    %swap3A_106 = arith.constant 80 : index
    %swap3A_107 = tpu.vector_load %arg8[%swap3A_106] {strides = array<i32>} : memref<128xi32, #tpu.memory_space<vmem>>, vector<16xi32>,
    tpu.vector_store %arg8[%swap3A_106], %select_n3A_105 {strides = array<i32>} : memref<128xi32, #tpu.memory_space<vmem>>, vector<16xi32>,
    %iota3A_108 = tpu.iota {dimensions = array<i32: 0>} : vector<16xi32>
    %add3A_109 = arith.constant 96 : i32
    %add3A_110 = vector.broadcast %add3A_109 : i32 to vector<16xi32>
    %add3A_111 = arith.addi %iota3A_108, %add3A_110 : vector<16xi32>
    %add3A_112 = arith.addi %get3A_5, %add3A_111 : vector<16xi32>
    %jit3A_113 = arith.constant 0 : i32
    %jit3A_114 = arith.constant 2047 : i32
    %max3A_115 = vector.broadcast %jit3A_113 : i32 to vector<16xi32>
    %max3A_116 = arith.maxsi %max3A_115, %add3A_112 : vector<16xi32>
    %min3A_117 = vector.broadcast %jit3A_114 : i32 to vector<16xi32>
    %min3A_118 = arith.minsi %min3A_117, %max3A_116 : vector<16xi32>
    %gather3A_119 = tpu.vector_load_idx %arg6[%min3A_118] : memref<2048xi32, #tpu.memory_space<vmem>>[vector<16xi32>], vector<16xi32>,
    %lt3A_120 = arith.cmpi slt, %add3A_111, %get3A_9 : vector<16xi32>
    %add3A_121 = arith.addi %get3A_13, %add3A_111 : vector<16xi32>
    %select_n3A_122 = arith.select %lt3A_120, %gather3A_119, %add3A_121 : vector<16xi1>, vector<16xi32>
    %swap3A_123 = arith.constant 96 : index
    %swap3A_124 = tpu.vector_load %arg8[%swap3A_123] {strides = array<i32>} : memref<128xi32, #tpu.memory_space<vmem>>, vector<16xi32>,
    tpu.vector_store %arg8[%swap3A_123], %select_n3A_122 {strides = array<i32>} : memref<128xi32, #tpu.memory_space<vmem>>, vector<16xi32>,
    %iota3A_125 = tpu.iota {dimensions = array<i32: 0>} : vector<16xi32>
    %add3A_126 = arith.constant 112 : i32
    %add3A_127 = vector.broadcast %add3A_126 : i32 to vector<16xi32>
    %add3A_128 = arith.addi %iota3A_125, %add3A_127 : vector<16xi32>
    %add3A_129 = arith.addi %get3A_5, %add3A_128 : vector<16xi32>
    %jit3A_130 = arith.constant 0 : i32
    %jit3A_131 = arith.constant 2047 : i32
    %max3A_132 = vector.broadcast %jit3A_130 : i32 to vector<16xi32>
    %max3A_133 = arith.maxsi %max3A_132, %add3A_129 : vector<16xi32>
    %min3A_134 = vector.broadcast %jit3A_131 : i32 to vector<16xi32>
    %min3A_135 = arith.minsi %min3A_134, %max3A_133 : vector<16xi32>
    %gather3A_136 = tpu.vector_load_idx %arg6[%min3A_135] : memref<2048xi32, #tpu.memory_space<vmem>>[vector<16xi32>], vector<16xi32>,
    %lt3A_137 = arith.cmpi slt, %add3A_128, %get3A_9 : vector<16xi32>
    %add3A_138 = arith.addi %get3A_13, %add3A_128 : vector<16xi32>
    %select_n3A_139 = arith.select %lt3A_137, %gather3A_136, %add3A_138 : vector<16xi1>, vector<16xi32>
    %swap3A_140 = arith.constant 112 : index
    %swap3A_141 = tpu.vector_load %arg8[%swap3A_140] {strides = array<i32>} : memref<128xi32, #tpu.memory_space<vmem>>, vector<16xi32>,
    tpu.vector_store %arg8[%swap3A_140], %select_n3A_139 {strides = array<i32>} : memref<128xi32, #tpu.memory_space<vmem>>, vector<16xi32>,
    %dma_start3A = arith.constant 0 : i32
    %dma_start3A_142 = arith.constant 0 : i32
    %dma_start3A_143 = tpu.memref_slice %arg2[%dma_start3A, %dma_start3A_142] : memref<2048x768xf32, #tpu.memory_space<hbm>> -> memref<2048x768xf32, #tpu.memory_space<hbm>>
    tpu.enqueue_indirect_dma source(%dma_start3A_143 : memref<2048x768xf32, #tpu.memory_space<hbm>>) target(%arg9 : memref<128x768xf32, #tpu.memory_space<vmem>>) offsets(%arg8 : memref<128xi32, #tpu.memory_space<vmem>>) semaphore(%arg10 : memref<!tpu.dma_semaphore, #tpu.memory_space<semaphore_mem>>)
    %dma_wait3A = arith.constant 0 : i32
    %dma_wait3A_144 = arith.constant 0 : i32
    %dma_wait3A_145 = tpu.memref_slice %arg2[%dma_wait3A, %dma_wait3A_144] : memref<2048x768xf32, #tpu.memory_space<hbm>> -> memref<2048x768xf32, #tpu.memory_space<hbm>>
    tpu.wait_indirect_dma semaphore(%arg10 : memref<!tpu.dma_semaphore, #tpu.memory_space<semaphore_mem>>) src(%dma_wait3A_145 : memref<2048x768xf32, #tpu.memory_space<hbm>>) dst(%arg9 : memref<128x768xf32, #tpu.memory_space<vmem>>)
    "tpu.region"() ({
      %run_scoped3A = tpu.sem_alloc : memref<!tpu.dma_semaphore, #tpu.memory_space<semaphore_mem>>
      %dma_start3A_146 = arith.constant 0 : i32
      %dma_start3A_147 = tpu.memref_slice %arg5[%mul3A_2, %dma_start3A_146] : memref<4096x768xf32, #tpu.memory_space<hbm>> -> memref<128x768xf32, #tpu.memory_space<hbm>>
      %dma_start3A_148 = arith.constant 0 : i32
      %dma_start3A_149 = tpu.memref_slice %arg5[%mul3A_2, %dma_start3A_148] : memref<4096x768xf32, #tpu.memory_space<hbm>> -> memref<128x768xf32, #tpu.memory_space<hbm>>
      tpu.enqueue_dma source(%arg9 : memref<128x768xf32, #tpu.memory_space<vmem>>) target(%dma_start3A_149 : memref<128x768xf32, #tpu.memory_space<hbm>>) target_semaphore(%run_scoped3A : memref<!tpu.dma_semaphore, #tpu.memory_space<semaphore_mem>>)
      %dma_wait3A_150 = arith.constant 0 : i32
      %dma_wait3A_151 = tpu.memref_slice %arg5[%mul3A_2, %dma_wait3A_150] : memref<4096x768xf32, #tpu.memory_space<hbm>> -> memref<128x768xf32, #tpu.memory_space<hbm>>
      %dma_wait3A_152 = arith.constant 0 : i32
      %dma_wait3A_153 = tpu.memref_slice %arg5[%mul3A_2, %dma_wait3A_152] : memref<4096x768xf32, #tpu.memory_space<hbm>> -> memref<128x768xf32, #tpu.memory_space<hbm>>
      tpu.wait_dma2 semaphore(%run_scoped3A : memref<!tpu.dma_semaphore, #tpu.memory_space<semaphore_mem>>) src(%arg9 : memref<128x768xf32, #tpu.memory_space<vmem>>) dst(%dma_wait3A_153 : memref<128x768xf32, #tpu.memory_space<hbm>>)
      tpu.yield
    }) : () -> ()
    return
  }
}

module attributes {stable_mosaic.version = 14 : i64} {
  func.func @_fusion_body(%arg0: i32, %arg1: memref<256x1024xf32, #tpu.memory_space<vmem>>, %arg2: memref<256x768xf32, #tpu.memory_space<vmem>>, %arg3: memref<256x256xf32, #tpu.memory_space<vmem>>, %arg4: memref<2048x768xf32, #tpu.memory_space<vmem>>, %arg5: memref<1x768xf32, #tpu.memory_space<vmem>>, %arg6: memref<1x768xf32, #tpu.memory_space<vmem>>, %arg7: memref<1x768xf32, #tpu.memory_space<vmem>>, %arg8: memref<768x16xf32, #tpu.memory_space<vmem>>, %arg9: memref<256x768xf32, #tpu.memory_space<vmem>>, %arg10: memref<1x1x256xi32, #tpu.memory_space<vmem>>, %arg11: memref<1x1x16xf32, #tpu.memory_space<vmem>>, %arg12: memref<1x1x16xf32, #tpu.memory_space<vmem>>) attributes {dimension_semantics = [#tpu.dimension_semantics<arbitrary>], iteration_bounds = array<i64: 8>, scalar_prefetch = 0 : i64, scratch_operands = 0 : i64, tpu.core_type = #tpu.core_type<tc>, window_params = [{transform_indices = @transform_0, window_bounds = array<i64: 256, 1024>}, {transform_indices = @transform_1, window_bounds = array<i64: 256, 768>}, {transform_indices = @transform_2, window_bounds = array<i64: 256, 256>}, {pipeline_mode = #tpu.pipeline_mode<synchronous>, transform_indices = @transform_3, window_bounds = array<i64: 2048, 768>}, {pipeline_mode = #tpu.pipeline_mode<synchronous>, transform_indices = @transform_4, window_bounds = array<i64: 1, 768>}, {pipeline_mode = #tpu.pipeline_mode<synchronous>, transform_indices = @transform_5, window_bounds = array<i64: 1, 768>}, {pipeline_mode = #tpu.pipeline_mode<synchronous>, transform_indices = @transform_6, window_bounds = array<i64: 1, 768>}, {pipeline_mode = #tpu.pipeline_mode<synchronous>, transform_indices = @transform_7, window_bounds = array<i64: 768, 16>}, {transform_indices = @transform_8, window_bounds = array<i64: 256, 768>}, {transform_indices = @transform_9, window_bounds = array<i64: 1, 1, 256>}, {transform_indices = @transform_10, window_bounds = array<i64: 1, 1, 16>}, {transform_indices = @transform_11, window_bounds = array<i64: 1, 1, 16>}]} {
    %get3A = arith.constant 0 : index
    %get3A_0 = arith.constant 0 : index
    %get3A_1 = vector.load %arg1[%get3A, %get3A_0] : memref<256x1024xf32, #tpu.memory_space<vmem>>, vector<256x1024xf32>
    %get3A_2 = arith.constant 0 : index
    %get3A_3 = arith.constant 0 : index
    %get3A_4 = vector.load %arg4[%get3A_2, %get3A_3] : memref<2048x768xf32, #tpu.memory_space<vmem>>, vector<1024x768xf32>
    %dot_general3A = arith.constant dense<0.000000e+00> : vector<256x768xf32>
    %dot_general3A_5 = tpu.matmul %get3A_1, %get3A_4, %dot_general3A {dimension_numbers = #tpu.dot_dimension_numbers<[1], [0], [0], [1], [0, 0, 1, 1], [], []>, transpose_lhs_hint = false} : vector<256x1024xf32>, vector<1024x768xf32>, vector<256x768xf32> -> vector<256x768xf32>
    %get3A_6 = arith.constant 0 : index
    %get3A_7 = arith.constant 0 : index
    %get3A_8 = vector.load %arg2[%get3A_6, %get3A_7] : memref<256x768xf32, #tpu.memory_space<vmem>>, vector<256x768xf32>
    %get3A_9 = arith.constant 1024 : index
    %get3A_10 = arith.constant 0 : index
    %get3A_11 = vector.load %arg4[%get3A_9, %get3A_10] : memref<2048x768xf32, #tpu.memory_space<vmem>>, vector<768x768xf32>
    %dot_general3A_12 = arith.constant dense<0.000000e+00> : vector<256x768xf32>
    %dot_general3A_13 = tpu.matmul %get3A_8, %get3A_11, %dot_general3A_12 {dimension_numbers = #tpu.dot_dimension_numbers<[1], [0], [0], [1], [0, 0, 1, 1], [], []>, transpose_lhs_hint = false} : vector<256x768xf32>, vector<768x768xf32>, vector<256x768xf32> -> vector<256x768xf32>
    %add3A = arith.addf %dot_general3A_5, %dot_general3A_13 : vector<256x768xf32>
    %get3A_14 = arith.constant 0 : index
    %get3A_15 = arith.constant 0 : index
    %get3A_16 = vector.load %arg3[%get3A_14, %get3A_15] : memref<256x256xf32, #tpu.memory_space<vmem>>, vector<256x256xf32>
    %get3A_17 = arith.constant 1792 : index
    %get3A_18 = arith.constant 0 : index
    %get3A_19 = vector.load %arg4[%get3A_17, %get3A_18] : memref<2048x768xf32, #tpu.memory_space<vmem>>, vector<256x768xf32>
    %dot_general3A_20 = arith.constant dense<0.000000e+00> : vector<256x768xf32>
    %dot_general3A_21 = tpu.matmul %get3A_16, %get3A_19, %dot_general3A_20 {dimension_numbers = #tpu.dot_dimension_numbers<[1], [0], [0], [1], [0, 0, 1, 1], [], []>, transpose_lhs_hint = false} : vector<256x256xf32>, vector<256x768xf32>, vector<256x768xf32> -> vector<256x768xf32>
    %add3A_22 = arith.addf %add3A, %dot_general3A_21 : vector<256x768xf32>
    %get3A_23 = arith.constant 0 : index
    %get3A_24 = arith.constant 0 : index
    %get3A_25 = vector.load %arg5[%get3A_23, %get3A_24] : memref<1x768xf32, #tpu.memory_space<vmem>>, vector<1x768xf32>
    %add3A_26 = vector.broadcast %get3A_25 : vector<1x768xf32> to vector<256x768xf32>
    %add3A_27 = arith.addf %add3A_22, %add3A_26 : vector<256x768xf32>
    %reduce_sum3A = arith.constant dense<0.000000e+00> : vector<256xf32>
    %reduce_sum3A_28 = vector.multi_reduction <add>, %add3A_27, %reduce_sum3A [1] : vector<256x768xf32> to vector<256xf32>
    %broadcast_in_dim3A = vector.shape_cast %reduce_sum3A_28 : vector<256xf32> to vector<256x1xf32>
    %div3A = arith.constant 7.680000e+02 : f32
    %div3A_29 = vector.broadcast %div3A : f32 to vector<256x1xf32>
    %div3A_30 = arith.divf %broadcast_in_dim3A, %div3A_29 : vector<256x1xf32>
    %sub3A = vector.broadcast %div3A_30 : vector<256x1xf32> to vector<256x768xf32>
    %sub3A_31 = arith.subf %add3A_27, %sub3A : vector<256x768xf32>
    %integer_pow3A = arith.mulf %sub3A_31, %sub3A_31 : vector<256x768xf32>
    %reduce_sum3A_32 = arith.constant dense<0.000000e+00> : vector<256xf32>
    %reduce_sum3A_33 = vector.multi_reduction <add>, %integer_pow3A, %reduce_sum3A_32 [1] : vector<256x768xf32> to vector<256xf32>
    %broadcast_in_dim3A_34 = vector.shape_cast %reduce_sum3A_33 : vector<256xf32> to vector<256x1xf32>
    %div3A_35 = arith.constant 7.680000e+02 : f32
    %div3A_36 = vector.broadcast %div3A_35 : f32 to vector<256x1xf32>
    %div3A_37 = arith.divf %broadcast_in_dim3A_34, %div3A_36 : vector<256x1xf32>
    %sub3A_38 = vector.broadcast %div3A_30 : vector<256x1xf32> to vector<256x768xf32>
    %sub3A_39 = arith.subf %add3A_27, %sub3A_38 : vector<256x768xf32>
    %add3A_40 = arith.constant 9.99999974E-6 : f32
    %add3A_41 = vector.broadcast %add3A_40 : f32 to vector<256x1xf32>
    %add3A_42 = arith.addf %div3A_37, %add3A_41 : vector<256x1xf32>
    %sqrt3A = math.sqrt %add3A_42 : vector<256x1xf32>
    %div3A_43 = vector.broadcast %sqrt3A : vector<256x1xf32> to vector<256x768xf32>
    %div3A_44 = arith.divf %sub3A_39, %div3A_43 : vector<256x768xf32>
    %get3A_45 = arith.constant 0 : index
    %get3A_46 = arith.constant 0 : index
    %get3A_47 = vector.load %arg6[%get3A_45, %get3A_46] : memref<1x768xf32, #tpu.memory_space<vmem>>, vector<1x768xf32>
    %mul3A = vector.broadcast %get3A_47 : vector<1x768xf32> to vector<256x768xf32>
    %mul3A_48 = arith.mulf %div3A_44, %mul3A : vector<256x768xf32>
    %get3A_49 = arith.constant 0 : index
    %get3A_50 = arith.constant 0 : index
    %get3A_51 = vector.load %arg7[%get3A_49, %get3A_50] : memref<1x768xf32, #tpu.memory_space<vmem>>, vector<1x768xf32>
    %add3A_52 = vector.broadcast %get3A_51 : vector<1x768xf32> to vector<256x768xf32>
    %add3A_53 = arith.addf %mul3A_48, %add3A_52 : vector<256x768xf32>
    %mul3A_54 = arith.constant 5.000000e-01 : f32
    %mul3A_55 = vector.broadcast %mul3A_54 : f32 to vector<256x768xf32>
    %mul3A_56 = arith.mulf %mul3A_55, %add3A_53 : vector<256x768xf32>
    %mul3A_57 = arith.constant 0.707106769 : f32
    %mul3A_58 = vector.broadcast %mul3A_57 : f32 to vector<256x768xf32>
    %mul3A_59 = arith.mulf %add3A_53, %mul3A_58 : vector<256x768xf32>
    %erf3A = math.erf %mul3A_59 : vector<256x768xf32>
    %add3A_60 = arith.constant 1.000000e+00 : f32
    %add3A_61 = vector.broadcast %add3A_60 : f32 to vector<256x768xf32>
    %add3A_62 = arith.addf %add3A_61, %erf3A : vector<256x768xf32>
    %mul3A_63 = arith.mulf %mul3A_56, %add3A_62 : vector<256x768xf32>
    %swap3A = arith.constant 0 : index
    %swap3A_64 = arith.constant 0 : index
    %swap3A_65 = vector.load %arg9[%swap3A, %swap3A_64] : memref<256x768xf32, #tpu.memory_space<vmem>>, vector<256x768xf32>
    tpu.vector_store %arg9[%swap3A, %swap3A_64], %mul3A_63 {strides = array<i32>} : memref<256x768xf32, #tpu.memory_space<vmem>>, vector<256x768xf32>,
    %get3A_66 = arith.constant 0 : index
    %get3A_67 = arith.constant 0 : index
    %get3A_68 = vector.load %arg8[%get3A_66, %get3A_67] : memref<768x16xf32, #tpu.memory_space<vmem>>, vector<768x16xf32>
    %dot_general3A_69 = arith.constant dense<0.000000e+00> : vector<256x16xf32>
    %dot_general3A_70 = tpu.matmul %mul3A_63, %get3A_68, %dot_general3A_69 {dimension_numbers = #tpu.dot_dimension_numbers<[1], [0], [0], [1], [0, 0, 1, 1], [], []>, transpose_lhs_hint = false} : vector<256x768xf32>, vector<768x16xf32>, vector<256x16xf32> -> vector<256x16xf32>
    %reduce_max3A = arith.constant dense<0xFF800000> : vector<256xf32>
    %reduce_max3A_71 = vector.multi_reduction <maximumf>, %dot_general3A_70, %reduce_max3A [1] : vector<256x16xf32> to vector<256xf32>
    %broadcast_in_dim3A_72 = vector.shape_cast %reduce_max3A_71 : vector<256xf32> to vector<256x1xf32>
    %iota3A = tpu.iota {dimensions = array<i32: 1>} : vector<256x16xi32>
    %ge3A = vector.broadcast %broadcast_in_dim3A_72 : vector<256x1xf32> to vector<256x16xf32>
    %ge3A_73 = arith.cmpf oge, %dot_general3A_70, %ge3A : vector<256x16xf32>
    %jit3A = arith.constant 16 : i32
    %broadcast_in_dim3A_74 = vector.broadcast %jit3A : i32 to vector<256x16xi32>
    %select_n3A = arith.select %ge3A_73, %iota3A, %broadcast_in_dim3A_74 : vector<256x16xi1>, vector<256x16xi32>
    %reduce_min3A = arith.constant dense<2147483647> : vector<256xi32>
    %reduce_min3A_75 = vector.multi_reduction <minsi>, %select_n3A, %reduce_min3A [1] : vector<256x16xi32> to vector<256xi32>
    %swap3A_76 = arith.constant 0 : index
    %swap3A_77 = arith.constant 0 : index
    %swap3A_78 = arith.constant 0 : index
    %swap3A_79 = vector.load %arg10[%swap3A_76, %swap3A_77, %swap3A_78] : memref<1x1x256xi32, #tpu.memory_space<vmem>>, vector<1x1x256xi32>
    %swap3A_80 = vector.shape_cast %swap3A_79 : vector<1x1x256xi32> to vector<256xi32>
    %swap3A_81 = vector.shape_cast %reduce_min3A_75 : vector<256xi32> to vector<1x1x256xi32>
    tpu.vector_store %arg10[%swap3A_76, %swap3A_77, %swap3A_78], %swap3A_81 {strides = array<i32>} : memref<1x1x256xi32, #tpu.memory_space<vmem>>, vector<1x1x256xi32>,
    %sub3A_82 = vector.broadcast %broadcast_in_dim3A_72 : vector<256x1xf32> to vector<256x16xf32>
    %sub3A_83 = arith.subf %dot_general3A_70, %sub3A_82 : vector<256x16xf32>
    %exp3A = math.exp %sub3A_83 : vector<256x16xf32>
    %reduce_sum3A_84 = arith.constant dense<0.000000e+00> : vector<256xf32>
    %reduce_sum3A_85 = vector.multi_reduction <add>, %exp3A, %reduce_sum3A_84 [1] : vector<256x16xf32> to vector<256xf32>
    %broadcast_in_dim3A_86 = vector.shape_cast %reduce_sum3A_85 : vector<256xf32> to vector<256x1xf32>
    %div3A_87 = vector.broadcast %broadcast_in_dim3A_86 : vector<256x1xf32> to vector<256x16xf32>
    %div3A_88 = arith.divf %exp3A, %div3A_87 : vector<256x16xf32>
    %reduce_sum3A_89 = arith.constant dense<0.000000e+00> : vector<16xf32>
    %reduce_sum3A_90 = vector.multi_reduction <add>, %div3A_88, %reduce_sum3A_89 [0] : vector<256x16xf32> to vector<16xf32>
    %swap3A_91 = arith.constant 0 : index
    %swap3A_92 = arith.constant 0 : index
    %swap3A_93 = arith.constant 0 : index
    %swap3A_94 = vector.load %arg11[%swap3A_91, %swap3A_92, %swap3A_93] : memref<1x1x16xf32, #tpu.memory_space<vmem>>, vector<1x1x16xf32>
    %swap3A_95 = vector.shape_cast %swap3A_94 : vector<1x1x16xf32> to vector<16xf32>
    %swap3A_96 = vector.shape_cast %reduce_sum3A_90 : vector<16xf32> to vector<1x1x16xf32>
    tpu.vector_store %arg11[%swap3A_91, %swap3A_92, %swap3A_93], %swap3A_96 {strides = array<i32>} : memref<1x1x16xf32, #tpu.memory_space<vmem>>, vector<1x1x16xf32>,
    %broadcast_in_dim3A_97 = vector.shape_cast %reduce_min3A_75 : vector<256xi32> to vector<256x1xi32>
    %eq3A = vector.broadcast %broadcast_in_dim3A_97 : vector<256x1xi32> to vector<256x16xi32>
    %eq3A_98 = arith.cmpi eq, %iota3A, %eq3A : vector<256x16xi32>
    %convert_element_type3A = arith.extui %eq3A_98 : vector<256x16xi1> to vector<256x16xi32>
    %convert_element_type3A_99 = arith.sitofp %convert_element_type3A : vector<256x16xi32> to vector<256x16xf32>
    %reduce_sum3A_100 = arith.constant dense<0.000000e+00> : vector<16xf32>
    %reduce_sum3A_101 = vector.multi_reduction <add>, %convert_element_type3A_99, %reduce_sum3A_100 [0] : vector<256x16xf32> to vector<16xf32>
    %swap3A_102 = arith.constant 0 : index
    %swap3A_103 = arith.constant 0 : index
    %swap3A_104 = arith.constant 0 : index
    %swap3A_105 = vector.load %arg12[%swap3A_102, %swap3A_103, %swap3A_104] : memref<1x1x16xf32, #tpu.memory_space<vmem>>, vector<1x1x16xf32>
    %swap3A_106 = vector.shape_cast %swap3A_105 : vector<1x1x16xf32> to vector<16xf32>
    %swap3A_107 = vector.shape_cast %reduce_sum3A_101 : vector<16xf32> to vector<1x1x16xf32>
    tpu.vector_store %arg12[%swap3A_102, %swap3A_103, %swap3A_104], %swap3A_107 {strides = array<i32>} : memref<1x1x16xf32, #tpu.memory_space<vmem>>, vector<1x1x16xf32>,
    return
  }
  func.func @transform_0(%arg0: i32) -> (i32, i32) {
    %c0_i32 = arith.constant 0 : i32
    %c0_i32_0 = arith.constant 0 : i32
    return %arg0, %c0_i32 : i32, i32
  }
  func.func @transform_1(%arg0: i32) -> (i32, i32) {
    %c0_i32 = arith.constant 0 : i32
    %c0_i32_0 = arith.constant 0 : i32
    return %arg0, %c0_i32 : i32, i32
  }
  func.func @transform_2(%arg0: i32) -> (i32, i32) {
    %c0_i32 = arith.constant 0 : i32
    %c0_i32_0 = arith.constant 0 : i32
    return %arg0, %c0_i32 : i32, i32
  }
  func.func @transform_3(%arg0: i32) -> (i32, i32) {
    %c0_i32 = arith.constant 0 : i32
    %c0_i32_0 = arith.constant 0 : i32
    %c0_i32_1 = arith.constant 0 : i32
    return %c0_i32, %c0_i32_0 : i32, i32
  }
  func.func @transform_4(%arg0: i32) -> (i32, i32) {
    %c0_i32 = arith.constant 0 : i32
    %c0_i32_0 = arith.constant 0 : i32
    %c0_i32_1 = arith.constant 0 : i32
    return %c0_i32, %c0_i32_0 : i32, i32
  }
  func.func @transform_5(%arg0: i32) -> (i32, i32) {
    %c0_i32 = arith.constant 0 : i32
    %c0_i32_0 = arith.constant 0 : i32
    %c0_i32_1 = arith.constant 0 : i32
    return %c0_i32, %c0_i32_0 : i32, i32
  }
  func.func @transform_6(%arg0: i32) -> (i32, i32) {
    %c0_i32 = arith.constant 0 : i32
    %c0_i32_0 = arith.constant 0 : i32
    %c0_i32_1 = arith.constant 0 : i32
    return %c0_i32, %c0_i32_0 : i32, i32
  }
  func.func @transform_7(%arg0: i32) -> (i32, i32) {
    %c0_i32 = arith.constant 0 : i32
    %c0_i32_0 = arith.constant 0 : i32
    %c0_i32_1 = arith.constant 0 : i32
    return %c0_i32, %c0_i32_0 : i32, i32
  }
  func.func @transform_8(%arg0: i32) -> (i32, i32) {
    %c0_i32 = arith.constant 0 : i32
    %c0_i32_0 = arith.constant 0 : i32
    return %arg0, %c0_i32 : i32, i32
  }
  func.func @transform_9(%arg0: i32) -> (i32, i32, i32) {
    %c0_i32 = arith.constant 0 : i32
    %c0_i32_0 = arith.constant 0 : i32
    %c0_i32_1 = arith.constant 0 : i32
    return %arg0, %c0_i32, %c0_i32_0 : i32, i32, i32
  }
  func.func @transform_10(%arg0: i32) -> (i32, i32, i32) {
    %c0_i32 = arith.constant 0 : i32
    %c0_i32_0 = arith.constant 0 : i32
    %c0_i32_1 = arith.constant 0 : i32
    return %arg0, %c0_i32, %c0_i32_0 : i32, i32, i32
  }
  func.func @transform_11(%arg0: i32) -> (i32, i32, i32) {
    %c0_i32 = arith.constant 0 : i32
    %c0_i32_0 = arith.constant 0 : i32
    %c0_i32_1 = arith.constant 0 : i32
    return %arg0, %c0_i32, %c0_i32_0 : i32, i32, i32
  }
}

module attributes {stable_mosaic.version = 14 : i64} {
  func.func @_expert_body(%arg0: i32, %arg1: memref<32xi32, #tpu.memory_space<smem>>, %arg2: memref<32xi32, #tpu.memory_space<smem>>, %arg3: memref<128x768xf32, #tpu.memory_space<vmem>>, %arg4: memref<1x768x1536xf32, #tpu.memory_space<vmem>>, %arg5: memref<1x1x1536xf32, #tpu.memory_space<vmem>>, %arg6: memref<1x1536x768xf32, #tpu.memory_space<vmem>>, %arg7: memref<1x1x768xf32, #tpu.memory_space<vmem>>, %arg8: memref<1x768x768xf32, #tpu.memory_space<vmem>>, %arg9: memref<1x1x768xf32, #tpu.memory_space<vmem>>, %arg10: memref<1x1x768xf32, #tpu.memory_space<vmem>>, %arg11: memref<1x1x768xf32, #tpu.memory_space<vmem>>, %arg12: memref<128x768xf32, #tpu.memory_space<vmem>>) attributes {dimension_semantics = [#tpu.dimension_semantics<arbitrary>], iteration_bounds = array<i64: 32>, scalar_prefetch = 2 : i64, scratch_operands = 0 : i64, tpu.core_type = #tpu.core_type<tc>, window_params = [{transform_indices = @transform_0, window_bounds = array<i64: 128, 768>}, {transform_indices = @transform_1, window_bounds = array<i64: 1, 768, 1536>}, {transform_indices = @transform_2, window_bounds = array<i64: 1, 1, 1536>}, {transform_indices = @transform_3, window_bounds = array<i64: 1, 1536, 768>}, {transform_indices = @transform_4, window_bounds = array<i64: 1, 1, 768>}, {transform_indices = @transform_5, window_bounds = array<i64: 1, 768, 768>}, {transform_indices = @transform_6, window_bounds = array<i64: 1, 1, 768>}, {transform_indices = @transform_7, window_bounds = array<i64: 1, 1, 768>}, {transform_indices = @transform_8, window_bounds = array<i64: 1, 1, 768>}, {transform_indices = @transform_9, window_bounds = array<i64: 128, 768>}]} {
    %get3A = arith.index_cast %arg0 : i32 to index
    %get3A_0 = memref.load %arg2[%get3A] : memref<32xi32, #tpu.memory_space<smem>>
    %gt3A = arith.constant 0 : i32
    %gt3A_1 = arith.cmpi sgt, %get3A_0, %gt3A : i32
    %convert_element_type3A = arith.extui %gt3A_1 : i1 to i32
    %cond3A = arith.constant 0 : i32
    %cond3A_2 = arith.cmpi ne, %convert_element_type3A, %cond3A : i32
    scf.if %cond3A_2 {
      %get3A_3 = arith.constant 0 : index
      %get3A_4 = arith.constant 0 : index
      %get3A_5 = vector.load %arg3[%get3A_3, %get3A_4] : memref<128x768xf32, #tpu.memory_space<vmem>>, vector<128x768xf32>
      %convert_element_type3A_6 = arith.truncf %get3A_5 : vector<128x768xf32> to vector<128x768xbf16>
      %get3A_7 = arith.constant 0 : index
      %get3A_8 = arith.constant 0 : index
      %get3A_9 = arith.constant 0 : index
      %get3A_10 = vector.load %arg4[%get3A_7, %get3A_8, %get3A_9] : memref<1x768x1536xf32, #tpu.memory_space<vmem>>, vector<1x768x1536xf32>
      %get3A_11 = vector.shape_cast %get3A_10 : vector<1x768x1536xf32> to vector<768x1536xf32>
      %convert_element_type3A_12 = arith.truncf %get3A_11 : vector<768x1536xf32> to vector<768x1536xbf16>
      %dot_general3A = arith.constant dense<0.000000e+00> : vector<128x1536xf32>
      %dot_general3A_13 = tpu.matmul %convert_element_type3A_6, %convert_element_type3A_12, %dot_general3A {dimension_numbers = #tpu.dot_dimension_numbers<[1], [0], [0], [1], [0, 0, 1, 1], [], []>, transpose_lhs_hint = false} : vector<128x768xbf16>, vector<768x1536xbf16>, vector<128x1536xf32> -> vector<128x1536xf32>
      %get3A_14 = arith.constant 0 : index
      %get3A_15 = arith.constant 0 : index
      %get3A_16 = arith.constant 0 : index
      %get3A_17 = vector.load %arg5[%get3A_14, %get3A_15, %get3A_16] : memref<1x1x1536xf32, #tpu.memory_space<vmem>>, vector<1x1x1536xf32>
      %get3A_18 = vector.shape_cast %get3A_17 : vector<1x1x1536xf32> to vector<1x1536xf32>
      %add3A = vector.broadcast %get3A_18 : vector<1x1536xf32> to vector<128x1536xf32>
      %add3A_19 = arith.addf %dot_general3A_13, %add3A : vector<128x1536xf32>
      %mul3A = arith.constant 5.000000e-01 : f32
      %mul3A_20 = vector.broadcast %mul3A : f32 to vector<128x1536xf32>
      %mul3A_21 = arith.mulf %mul3A_20, %add3A_19 : vector<128x1536xf32>
      %mul3A_22 = arith.constant 0.707106769 : f32
      %mul3A_23 = vector.broadcast %mul3A_22 : f32 to vector<128x1536xf32>
      %mul3A_24 = arith.mulf %add3A_19, %mul3A_23 : vector<128x1536xf32>
      %erf3A = math.erf %mul3A_24 : vector<128x1536xf32>
      %add3A_25 = arith.constant 1.000000e+00 : f32
      %add3A_26 = vector.broadcast %add3A_25 : f32 to vector<128x1536xf32>
      %add3A_27 = arith.addf %add3A_26, %erf3A : vector<128x1536xf32>
      %mul3A_28 = arith.mulf %mul3A_21, %add3A_27 : vector<128x1536xf32>
      %convert_element_type3A_29 = arith.truncf %mul3A_28 : vector<128x1536xf32> to vector<128x1536xbf16>
      %get3A_30 = arith.constant 0 : index
      %get3A_31 = arith.constant 0 : index
      %get3A_32 = arith.constant 0 : index
      %get3A_33 = vector.load %arg6[%get3A_30, %get3A_31, %get3A_32] : memref<1x1536x768xf32, #tpu.memory_space<vmem>>, vector<1x1536x768xf32>
      %get3A_34 = vector.shape_cast %get3A_33 : vector<1x1536x768xf32> to vector<1536x768xf32>
      %convert_element_type3A_35 = arith.truncf %get3A_34 : vector<1536x768xf32> to vector<1536x768xbf16>
      %dot_general3A_36 = arith.constant dense<0.000000e+00> : vector<128x768xf32>
      %dot_general3A_37 = tpu.matmul %convert_element_type3A_29, %convert_element_type3A_35, %dot_general3A_36 {dimension_numbers = #tpu.dot_dimension_numbers<[1], [0], [0], [1], [0, 0, 1, 1], [], []>, transpose_lhs_hint = false} : vector<128x1536xbf16>, vector<1536x768xbf16>, vector<128x768xf32> -> vector<128x768xf32>
      %get3A_38 = arith.constant 0 : index
      %get3A_39 = arith.constant 0 : index
      %get3A_40 = arith.constant 0 : index
      %get3A_41 = vector.load %arg7[%get3A_38, %get3A_39, %get3A_40] : memref<1x1x768xf32, #tpu.memory_space<vmem>>, vector<1x1x768xf32>
      %get3A_42 = vector.shape_cast %get3A_41 : vector<1x1x768xf32> to vector<1x768xf32>
      %add3A_43 = vector.broadcast %get3A_42 : vector<1x768xf32> to vector<128x768xf32>
      %add3A_44 = arith.addf %dot_general3A_37, %add3A_43 : vector<128x768xf32>
      %mul3A_45 = arith.constant 5.000000e-01 : f32
      %mul3A_46 = vector.broadcast %mul3A_45 : f32 to vector<128x768xf32>
      %mul3A_47 = arith.mulf %mul3A_46, %add3A_44 : vector<128x768xf32>
      %mul3A_48 = arith.constant 0.707106769 : f32
      %mul3A_49 = vector.broadcast %mul3A_48 : f32 to vector<128x768xf32>
      %mul3A_50 = arith.mulf %add3A_44, %mul3A_49 : vector<128x768xf32>
      %erf3A_51 = math.erf %mul3A_50 : vector<128x768xf32>
      %add3A_52 = arith.constant 1.000000e+00 : f32
      %add3A_53 = vector.broadcast %add3A_52 : f32 to vector<128x768xf32>
      %add3A_54 = arith.addf %add3A_53, %erf3A_51 : vector<128x768xf32>
      %mul3A_55 = arith.mulf %mul3A_47, %add3A_54 : vector<128x768xf32>
      %convert_element_type3A_56 = arith.truncf %mul3A_55 : vector<128x768xf32> to vector<128x768xbf16>
      %get3A_57 = arith.constant 0 : index
      %get3A_58 = arith.constant 0 : index
      %get3A_59 = arith.constant 0 : index
      %get3A_60 = vector.load %arg8[%get3A_57, %get3A_58, %get3A_59] : memref<1x768x768xf32, #tpu.memory_space<vmem>>, vector<1x768x768xf32>
      %get3A_61 = vector.shape_cast %get3A_60 : vector<1x768x768xf32> to vector<768x768xf32>
      %convert_element_type3A_62 = arith.truncf %get3A_61 : vector<768x768xf32> to vector<768x768xbf16>
      %dot_general3A_63 = arith.constant dense<0.000000e+00> : vector<128x768xf32>
      %dot_general3A_64 = tpu.matmul %convert_element_type3A_56, %convert_element_type3A_62, %dot_general3A_63 {dimension_numbers = #tpu.dot_dimension_numbers<[1], [0], [0], [1], [0, 0, 1, 1], [], []>, transpose_lhs_hint = false} : vector<128x768xbf16>, vector<768x768xbf16>, vector<128x768xf32> -> vector<128x768xf32>
      %add3A_65 = arith.addf %get3A_5, %dot_general3A_64 : vector<128x768xf32>
      %get3A_66 = arith.constant 0 : index
      %get3A_67 = arith.constant 0 : index
      %get3A_68 = arith.constant 0 : index
      %get3A_69 = vector.load %arg9[%get3A_66, %get3A_67, %get3A_68] : memref<1x1x768xf32, #tpu.memory_space<vmem>>, vector<1x1x768xf32>
      %get3A_70 = vector.shape_cast %get3A_69 : vector<1x1x768xf32> to vector<1x768xf32>
      %add3A_71 = vector.broadcast %get3A_70 : vector<1x768xf32> to vector<128x768xf32>
      %add3A_72 = arith.addf %add3A_65, %add3A_71 : vector<128x768xf32>
      %reduce_sum3A = arith.constant dense<0.000000e+00> : vector<128xf32>
      %reduce_sum3A_73 = vector.multi_reduction <add>, %add3A_72, %reduce_sum3A [1] : vector<128x768xf32> to vector<128xf32>
      %broadcast_in_dim3A = vector.shape_cast %reduce_sum3A_73 : vector<128xf32> to vector<128x1xf32>
      %div3A = arith.constant 7.680000e+02 : f32
      %div3A_74 = vector.broadcast %div3A : f32 to vector<128x1xf32>
      %div3A_75 = arith.divf %broadcast_in_dim3A, %div3A_74 : vector<128x1xf32>
      %sub3A = vector.broadcast %div3A_75 : vector<128x1xf32> to vector<128x768xf32>
      %sub3A_76 = arith.subf %add3A_72, %sub3A : vector<128x768xf32>
      %integer_pow3A = arith.mulf %sub3A_76, %sub3A_76 : vector<128x768xf32>
      %reduce_sum3A_77 = arith.constant dense<0.000000e+00> : vector<128xf32>
      %reduce_sum3A_78 = vector.multi_reduction <add>, %integer_pow3A, %reduce_sum3A_77 [1] : vector<128x768xf32> to vector<128xf32>
      %broadcast_in_dim3A_79 = vector.shape_cast %reduce_sum3A_78 : vector<128xf32> to vector<128x1xf32>
      %div3A_80 = arith.constant 7.680000e+02 : f32
      %div3A_81 = vector.broadcast %div3A_80 : f32 to vector<128x1xf32>
      %div3A_82 = arith.divf %broadcast_in_dim3A_79, %div3A_81 : vector<128x1xf32>
      %sub3A_83 = vector.broadcast %div3A_75 : vector<128x1xf32> to vector<128x768xf32>
      %sub3A_84 = arith.subf %add3A_72, %sub3A_83 : vector<128x768xf32>
      %add3A_85 = arith.constant 9.99999974E-6 : f32
      %add3A_86 = vector.broadcast %add3A_85 : f32 to vector<128x1xf32>
      %add3A_87 = arith.addf %div3A_82, %add3A_86 : vector<128x1xf32>
      %sqrt3A = math.sqrt %add3A_87 : vector<128x1xf32>
      %div3A_88 = vector.broadcast %sqrt3A : vector<128x1xf32> to vector<128x768xf32>
      %div3A_89 = arith.divf %sub3A_84, %div3A_88 : vector<128x768xf32>
      %get3A_90 = arith.constant 0 : index
      %get3A_91 = arith.constant 0 : index
      %get3A_92 = arith.constant 0 : index
      %get3A_93 = vector.load %arg10[%get3A_90, %get3A_91, %get3A_92] : memref<1x1x768xf32, #tpu.memory_space<vmem>>, vector<1x1x768xf32>
      %get3A_94 = vector.shape_cast %get3A_93 : vector<1x1x768xf32> to vector<1x768xf32>
      %mul3A_95 = vector.broadcast %get3A_94 : vector<1x768xf32> to vector<128x768xf32>
      %mul3A_96 = arith.mulf %div3A_89, %mul3A_95 : vector<128x768xf32>
      %get3A_97 = arith.constant 0 : index
      %get3A_98 = arith.constant 0 : index
      %get3A_99 = arith.constant 0 : index
      %get3A_100 = vector.load %arg11[%get3A_97, %get3A_98, %get3A_99] : memref<1x1x768xf32, #tpu.memory_space<vmem>>, vector<1x1x768xf32>
      %get3A_101 = vector.shape_cast %get3A_100 : vector<1x1x768xf32> to vector<1x768xf32>
      %add3A_102 = vector.broadcast %get3A_101 : vector<1x768xf32> to vector<128x768xf32>
      %add3A_103 = arith.addf %mul3A_96, %add3A_102 : vector<128x768xf32>
      %swap3A = arith.constant 0 : index
      %swap3A_104 = arith.constant 0 : index
      %swap3A_105 = vector.load %arg12[%swap3A, %swap3A_104] : memref<128x768xf32, #tpu.memory_space<vmem>>, vector<128x768xf32>
      tpu.vector_store %arg12[%swap3A, %swap3A_104], %add3A_103 {strides = array<i32>} : memref<128x768xf32, #tpu.memory_space<vmem>>, vector<128x768xf32>,
    } else {
    }
    return
  }
  func.func @transform_0(%arg0: i32, %arg1: memref<32xi32, #tpu.memory_space<smem>>, %arg2: memref<32xi32, #tpu.memory_space<smem>>) -> (i32, i32) {
    %c0_i32 = arith.constant 0 : i32
    %c0_i32_0 = arith.constant 0 : i32
    return %arg0, %c0_i32 : i32, i32
  }
  func.func @transform_1(%arg0: i32, %arg1: memref<32xi32, #tpu.memory_space<smem>>, %arg2: memref<32xi32, #tpu.memory_space<smem>>) -> (i32, i32, i32) {
    %get3A = arith.index_cast %arg0 : i32 to index
    %get3A_0 = memref.load %arg1[%get3A] : memref<32xi32, #tpu.memory_space<smem>>
    %c0_i32 = arith.constant 0 : i32
    %c0_i32_1 = arith.constant 0 : i32
    %c0_i32_2 = arith.constant 0 : i32
    return %get3A_0, %c0_i32, %c0_i32_1 : i32, i32, i32
  }
  func.func @transform_2(%arg0: i32, %arg1: memref<32xi32, #tpu.memory_space<smem>>, %arg2: memref<32xi32, #tpu.memory_space<smem>>) -> (i32, i32, i32) {
    %get3A = arith.index_cast %arg0 : i32 to index
    %get3A_0 = memref.load %arg1[%get3A] : memref<32xi32, #tpu.memory_space<smem>>
    %c0_i32 = arith.constant 0 : i32
    %c0_i32_1 = arith.constant 0 : i32
    %c0_i32_2 = arith.constant 0 : i32
    return %get3A_0, %c0_i32, %c0_i32_1 : i32, i32, i32
  }
  func.func @transform_3(%arg0: i32, %arg1: memref<32xi32, #tpu.memory_space<smem>>, %arg2: memref<32xi32, #tpu.memory_space<smem>>) -> (i32, i32, i32) {
    %get3A = arith.index_cast %arg0 : i32 to index
    %get3A_0 = memref.load %arg1[%get3A] : memref<32xi32, #tpu.memory_space<smem>>
    %c0_i32 = arith.constant 0 : i32
    %c0_i32_1 = arith.constant 0 : i32
    %c0_i32_2 = arith.constant 0 : i32
    return %get3A_0, %c0_i32, %c0_i32_1 : i32, i32, i32
  }
  func.func @transform_4(%arg0: i32, %arg1: memref<32xi32, #tpu.memory_space<smem>>, %arg2: memref<32xi32, #tpu.memory_space<smem>>) -> (i32, i32, i32) {
    %get3A = arith.index_cast %arg0 : i32 to index
    %get3A_0 = memref.load %arg1[%get3A] : memref<32xi32, #tpu.memory_space<smem>>
    %c0_i32 = arith.constant 0 : i32
    %c0_i32_1 = arith.constant 0 : i32
    %c0_i32_2 = arith.constant 0 : i32
    return %get3A_0, %c0_i32, %c0_i32_1 : i32, i32, i32
  }
  func.func @transform_5(%arg0: i32, %arg1: memref<32xi32, #tpu.memory_space<smem>>, %arg2: memref<32xi32, #tpu.memory_space<smem>>) -> (i32, i32, i32) {
    %get3A = arith.index_cast %arg0 : i32 to index
    %get3A_0 = memref.load %arg1[%get3A] : memref<32xi32, #tpu.memory_space<smem>>
    %c0_i32 = arith.constant 0 : i32
    %c0_i32_1 = arith.constant 0 : i32
    %c0_i32_2 = arith.constant 0 : i32
    return %get3A_0, %c0_i32, %c0_i32_1 : i32, i32, i32
  }
  func.func @transform_6(%arg0: i32, %arg1: memref<32xi32, #tpu.memory_space<smem>>, %arg2: memref<32xi32, #tpu.memory_space<smem>>) -> (i32, i32, i32) {
    %get3A = arith.index_cast %arg0 : i32 to index
    %get3A_0 = memref.load %arg1[%get3A] : memref<32xi32, #tpu.memory_space<smem>>
    %c0_i32 = arith.constant 0 : i32
    %c0_i32_1 = arith.constant 0 : i32
    %c0_i32_2 = arith.constant 0 : i32
    return %get3A_0, %c0_i32, %c0_i32_1 : i32, i32, i32
  }
  func.func @transform_7(%arg0: i32, %arg1: memref<32xi32, #tpu.memory_space<smem>>, %arg2: memref<32xi32, #tpu.memory_space<smem>>) -> (i32, i32, i32) {
    %get3A = arith.index_cast %arg0 : i32 to index
    %get3A_0 = memref.load %arg1[%get3A] : memref<32xi32, #tpu.memory_space<smem>>
    %c0_i32 = arith.constant 0 : i32
    %c0_i32_1 = arith.constant 0 : i32
    %c0_i32_2 = arith.constant 0 : i32
    return %get3A_0, %c0_i32, %c0_i32_1 : i32, i32, i32
  }
  func.func @transform_8(%arg0: i32, %arg1: memref<32xi32, #tpu.memory_space<smem>>, %arg2: memref<32xi32, #tpu.memory_space<smem>>) -> (i32, i32, i32) {
    %get3A = arith.index_cast %arg0 : i32 to index
    %get3A_0 = memref.load %arg1[%get3A] : memref<32xi32, #tpu.memory_space<smem>>
    %c0_i32 = arith.constant 0 : i32
    %c0_i32_1 = arith.constant 0 : i32
    %c0_i32_2 = arith.constant 0 : i32
    return %get3A_0, %c0_i32, %c0_i32_1 : i32, i32, i32
  }
  func.func @transform_9(%arg0: i32, %arg1: memref<32xi32, #tpu.memory_space<smem>>, %arg2: memref<32xi32, #tpu.memory_space<smem>>) -> (i32, i32) {
    %c0_i32 = arith.constant 0 : i32
    %c0_i32_0 = arith.constant 0 : i32
    return %arg0, %c0_i32 : i32, i32
  }
}

</mosaic_0001>

<sc_bundles>
// kernel: kernel.6.cloned.1.call-start
scs
__scs_entry_jumppad:
0x0: {  	(pc) =	sbr.rel $0x88, $3  }
0x1: {  	(tag) =	ssettag $0x0;
	lr =	simm.s32 $0x1  }
0x2: {  	[smem:$0x3F91] =	sst lr;
	_ =	strace $0xD0000000  }
0x3: {  	_ = 	snop  }
0x4: {  	_ = 	snop  }
0x5: {  	_ = 	snop  }
0x6: {  	_ = 	snop  }
0x7: {  	_ = 	snop  }
__scs_overlays_trampoline_lowered:
0x8: {  	[smem:$0x3FA0] =	sst s0  }
0x9: {  	[smem:$0x3FA1] =	sst s1  }
0xa: {  	[smem:$0x3FA2] =	sst s2  }
0xb: {  	[smem:$0x3FA3] =	sst s3  }
0xc: {  	[smem:$0x3FA4] =	sst s4  }
0xd: {  	[smem:$0x3FA5] =	sst s5  }
0xe: {  	[smem:$0x3FA6] =	sst s6  }
0xf: {  	[smem:$0x3FA7] =	sst s7  }
0x10: {  	[smem:$0x3FA8] =	sst s8  }
0x11: {  	[smem:$0x3FA9] =	sst s9;
	s0 =	simm.s32 @!p0 $0x0  }
0x12: {  	s1 =	sld [smem:$0x3F8F];
	s0 =	simm.s32 @p0 $0x1  }
0x13: {  	[smem:$0x3FAA] =	sst s0;
	s0 =	simm.s32 @!p1 $0x0  }
0x14: {  	s2 =	sld [smem:$0x3F8E];
	s0 =	simm.s32 @p1 $0x1  }
0x15: {  	[smem:$0x3FAB] =	sst s0;
	s0 =	simm.s32 @!p2 $0x0  }
0x16: {  	s3 =	sld [smem:$0x3FDB];
	s0 =	simm.s32 @p2 $0x1  }
0x17: {  	s4 =	simm.s32 $0x1BF5;
	[smem:$0x3FAD] =	sst s0  }
0x18: {  	s0 =	sld [smem:$0x3F90];
	_ =	swait.ge [sflag:s4], $0x0  }
0x19: {  	s7 =	sld [smem:$0x3F91]  }
0x1a: {  	s8 =	sadd.s32 $0xFFFFE003, lr  }
0x1b: {  	s9 =	sadd.s32 $0xFFFFFEF7, lr;
	s5 =	simm.s32 $0xFFFFFFFF;
	p2 =	slt.u32 s8, $0xFFFFF086  }
0x1c: {  	p1 =	slt.u32 s9, $0xF7A;
	s5 =	simm.s32 @!p2 $0x0  }
0x1d: {  	s5 =	simm.s32 @p1 $0x1;
	p0 =	seq.s32 s7, s2  }
0x1e: {  	s7 =	smul.u32 @!p0 $0xF7A, s2;
	p2 =	seq.s32 @!p0 s5, $0x0  }
0x1f: {  	s9 =	smul.u32 $0xF7A, s1;
	s8 =	simm.s32 @!p0 $0x1BF5;
	p2 =	por !p2, p0  }
0x20: {  	[sflag:s8] =	ssyncset.s32 @!p0 $0xFFFFF086;
	s6 =	sadd.s32 @!p0 s3, s7;
	s7 =	simm.s32 @!p0 $0x108  }
0x21: {  	s3 =	sadd.s32 s3, s9;
	s6 =	sadd.s32 @!p0 $0x88, s6;
	s7 =	simm.s32 @p2 $0x1082  }
0x22: {  	[simem:s7], [sflag:s8] =	dma.local @!p0 [hbm:s6], $0xF7A  }
0x23: {  	s9 =	sor.u32 $0xD0000000, s2;
	s6 =	simm.s32 $0x108;
	_ =	swait.ge @!p0 [sflag:s8], $0x0  }
0x24: {  	s3 =	sadd.s32 $0x88, s3;
	s6 =	simm.s32 @!p1 $0x1082;
	[sflag:s4] =	ssyncset.s32 $0xFFFFF086  }
0x25: {  	[simem:s6], [sflag:s4] =	dma.local [hbm:s3], $0xF7A  }
0x26: {  	[smem:$0x3F91] =	sst s1;
	(tag) =	ssettag s2;
	_ =	strace s9  }
0x27: {  	s1 =	sld [smem:$0x3FA1]  }
0x28: {  	s2 =	sld [smem:$0x3FA2]  }
0x29: {  	s4 =	sld [smem:$0x3FA4]  }
0x2a: {  	p0 =	seq.s32 s5, $0x0;
	s5 =	sld [smem:$0x3FA5]  }
0x2b: {  	s6 =	sld [smem:$0x3FA6]  }
0x2c: {  	s7 =	sld [smem:$0x3FA7]  }
0x2d: {  	s3 =	simm.s32 $0x108;
	s8 =	sld [smem:$0x3FA8]  }
0x2e: {  	s3 =	simm.s32 @!p0 $0x1082;
	s9 =	sld [smem:$0x3FA9]  }
0x2f: {  	lr =	sadd.s32 s0, s3;
	s0 =	sld [smem:$0x3FA0]  }
0x30: {  	s3 =	sld [smem:$0x3FA3]  }
0x31: {  	[smem:$0x3FAC] =	sst s10  }
0x32: {  	s10 =	sld [smem:$0x3FAA];
	_ =	sdelay $0x3  }
0x33: {  	p0 =	seq.s32 s10, $0x1;
	s10 =	sld [smem:$0x3FAC];
	_ =	sdelay $0x3  }
0x34: {  	[smem:$0x3FAC] =	sst s10  }
0x35: {  	s10 =	sld [smem:$0x3FAB];
	_ =	sdelay $0x3  }
0x36: {  	p1 =	seq.s32 s10, $0x1;
	s10 =	sld [smem:$0x3FAC];
	_ =	sdelay $0x3  }
0x37: {  	[smem:$0x3FAC] =	sst s10  }
0x38: {  	s10 =	sld [smem:$0x3FAD]  }
0x39: {  	_ = 	snop;
	(pc) =	sbr.ind lr, $3  }
0x3a: {  	_ = 	snop  }
0x3b: {  	_ = 	snop  }
0x3c: {  	p2 =	seq.s32 s10, $0x1;
	s10 =	sld [smem:$0x3FAC]  }
0x3d: {  	_ =	shalt  }
0x3e: {  	_ =	shalt  }
0x3f: {  	_ =	shalt  }
0x40: {  	_ =	shalt  }
0x41: {  	_ =	shalt  }
0x42: {  	_ =	shalt  }
0x43: {  	_ =	shalt  }
0x44: {  	_ =	shalt  }
0x45: {  	_ =	shalt  }
0x46: {  	_ =	shalt  }
0x47: {  	_ =	shalt  }
0x48: {  	_ =	shalt  }
0x49: {  	_ =	shalt  }
0x4a: {  	_ =	shalt  }
0x4b: {  	_ =	shalt  }
0x4c: {  	_ =	shalt  }
0x4d: {  	_ =	shalt  }
0x4e: {  	_ =	shalt  }
0x4f: {  	_ =	shalt  }
0x50: {  	_ =	shalt  }
0x51: {  	_ =	shalt  }
0x52: {  	_ =	shalt  }
0x53: {  	_ =	shalt  }
0x54: {  	_ =	shalt  }
0x55: {  	_ =	shalt  }
0x56: {  	_ =	shalt  }
0x57: {  	_ =	shalt  }
0x58: {  	_ =	shalt  }
0x59: {  	_ =	shalt  }
0x5a: {  	_ =	shalt  }
0x5b: {  	_ =	shalt  }
0x5c: {  	_ =	shalt  }
0x5d: {  	_ =	shalt  }
0x5e: {  	_ =	shalt  }
0x5f: {  	_ =	shalt  }
0x60: {  	_ =	shalt  }
0x61: {  	_ =	shalt  }
0x62: {  	_ =	shalt  }
0x63: {  	_ =	shalt  }
0x64: {  	_ =	shalt  }
0x65: {  	_ =	shalt  }
0x66: {  	_ =	shalt  }
0x67: {  	_ =	shalt  }
0x68: {  	_ =	shalt  }
0x69: {  	_ =	shalt  }
0x6a: {  	_ =	shalt  }
0x6b: {  	_ =	shalt  }
0x6c: {  	_ =	shalt  }
0x6d: {  	_ =	shalt  }
0x6e: {  	_ =	shalt  }
0x6f: {  	_ =	shalt  }
0x70: {  	_ =	shalt  }
0x71: {  	_ =	shalt  }
0x72: {  	_ =	shalt  }
0x73: {  	_ =	shalt  }
0x74: {  	_ =	shalt  }
0x75: {  	_ =	shalt  }
0x76: {  	_ =	shalt  }
0x77: {  	_ =	shalt  }
0x78: {  	_ =	shalt  }
0x79: {  	_ =	shalt  }
0x7a: {  	_ =	shalt  }
0x7b: {  	_ =	shalt  }
0x7c: {  	_ =	shalt  }
0x7d: {  	_ =	shalt  }
0x7e: {  	_ =	shalt  }
0x7f: {  	_ =	shalt  }
0x80: {  	_ =	shalt  }
0x81: {  	_ =	shalt  }
0x82: {  	_ =	shalt  }
0x83: {  	_ =	shalt  }
0x84: {  	_ =	shalt  }
0x85: {  	_ =	shalt  }
0x86: {  	_ =	shalt  }
0x87: {  	_ =	shalt  }
.Lfunc_end0:
.L_simem_size_0:
called_computation_lowered:
.L_overlay_start_0:
0x88: {  	s2 =	sld [smem:$0x3FD9]  }
0x89: {  	s3 =	sld [smem:$0x3FFE];
	_ =	sdelay $0x1  }
0x8a: {  	s1 =	srdreg.scid  }
0x8b: {  	s0 =	sand.u32 $0x1, s1  }
0x8c: {  	s14 =	sshll.u32 s0, $0xA;
	s2 =	sadd.s32 s3, s2  }
0x8d: {  	s2 =	sadd.s32 s2, s14  }
0x8e: {  	[smem:$0x3FB8] =	sst s2  }
0x8f: {  	_ = 	snop  }
0x90: {  	s2 =	sld [smem:$0x3FD0];
	_ =	sdelay $0x2  }
0x91: {  	s15 =	simm.s32 $0xA;
	s4 =	simm.s32 $0x10  }
0x92: {  	[smem:s4], [sflag:s15] =	dma.local [hbm:s2], $0x1  }
0x93: {  	_ =	swait.eq [sflag:s15], $0x1  }
0x94: {  	[sflag:s15] =	ssyncset.done $0x0  }
0x95: {  	[sflag:s15] =	ssyncadd.s32 $0xFFFFFFFF  }
0x96: {  	s16 =	sld [smem:$0x10];
	(tm) =	ssettm $0x1  }
0x97: {  	s17 =	sld [smem:$0x3FFB];
	_ =	sdelay $0x3  }
0x98: {  	_ =	strace s17  }
0x99: {  	s3 =	sld [smem:$0x3FFC];
	_ =	sdelay $0x3  }
0x9a: {  	_ =	strace s3  }
0x9b: {  	s3 =	sld [smem:$0x3FFD];
	_ =	sdelay $0x3  }
0x9c: {  	_ =	strace s3  }
0x9d: {  	_ =	strace $0x8FFFFFFF  }
0x9e: {  	s18 =	sld [smem:$0x3FDB];
	_ =	sdelay $0x1  }
0x9f: {  	s19 =	simm.s32 $_scs_section_size  }
0xa0: {  	s5 =	simm.s32 $_size__tile_overlayer_lowered;
	s6 =	simm.s32 $_tile_overlayer_lowered  }
0xa1: {  	s22 =	simm.s32 $0x1BFF;
	s21 =	sshll.u32 s6, $0x1;
	s3 =	sadd.s32 s19, s18  }
0xa2: {  	s7 =	simm.s32 $0x0;
	s20 =	sshll.u32 s5, $0x1;
	s5 =	sadd.s32 s21, s3  }
0xa3: {  	[timem:s7], [sflag:s22] =	dma.local [hbm:s5], s20  }
0xa4: {  	_ =	swait.ge [sflag:s22], s20  }
0xa5: {  	s4 =	ssub.s32 $0x0, s20;
	[sflag:s22] =	ssyncset.done $0x0  }
0xa6: {  	[sflag:s22] =	ssyncadd.s32 s4;
	_ =	sdelay $0x1  }
0xa7: {  	s23 =	simm.s32 $0x1B8B  }
0xa8: {  	_ =	swait.ge [sflag:s23], $0x1  }
0xa9: {  	[sflag:s23] =	ssyncset.done $0x0  }
0xaa: {  	s25 =	simm.s32 $0x1B8E;
	s24 =	sld [smem:$0x3FFE];
	[sflag:s23] =	ssyncadd.s32 $0xFFFFFFFF  }
0xab: {  	s26 =	simm.s32 $execute0_lowered;
	[smem:$0x3FD2] =	sst s25  }
0xac: {  	s5 =	sshll.u32 s26, $0x1;
	_ =	strace $0x80000046;
	[dreg:$0x1] =	wrdreg $0xFFFFFFFF  }
0xad: {  	s28 =	simm.s32 $_size_execute0_lowered;
	s3 =	sadd.s32 s3, s5;
	[dreg:$0x0] =	wrdreg $0x0  }
0xae: {  	s5 =	sshll.u32 s28, $0x1;
	[dreg:$0x2] =	wrdreg s3  }
0xaf: {  	[dreg:$0x3] =	wrdreg s5  }
0xb0: {  	[dreg:$0x4] =	wrdreg $0xC0  }
0xb1: {  	_ =	task [dreg:s7], $0x5FFFF  }
0xb2: {  	[dreg:$0x1] =	wrdreg $0xFFFFFFFF  }
0xb3: {  	[dreg:$0x0] =	wrdreg $0x60  }
0xb4: {  	[dreg:$0x2] =	wrdreg s16  }
0xb5: {  	[dreg:$0x3] =	wrdreg s24  }
0xb6: {  	[dreg:$0x4] =	wrdreg $0x9  }
0xb7: {  	_ =	task.clear_ibuf [dreg:s7], $0x5FFFF;
	_ =	strace $0x90000046  }
0xb8: {  	s29 =	simm.s32 $0x9;
	_ =	strace $0x80000048  }
0xb9: {  	_ =	swait.ge [sflag:s29], $0x1  }
0xba: {  	[sflag:s29] =	ssyncadd.s32 $0xFFFFFFFF  }
0xbb: {  	_ =	strace $0x90000048  }
0xbc: {  	_ =	sfence  }
0xbd: {  	s30 =	sld [smem:$0x0];
	_ =	sdelay $0x2  }
0xbe: {  	s31 =	sshll.u32 s1, $0xD;
	s1 =	sshrl.u32 s1, $0x2  }
0xbf: {  	s3 =	sand.u32 $0x4000, s31;
	s1 =	sadd.s32 s1, s30  }
0xc0: {  	s0 =	sor.u32 s3, s0;
	s1 =	sshll.u32 s1, $0x11  }
0xc1: {  	s0 =	sor.u32 s1, s0  }
0xc2: {  	s0 =	sadd.s32 $0x8F2B, s0  }
0xc3: {  	[sflag:s0] =	ssyncadd.remote.s32 $0x1  }
0xc4: {  	_ =	sfence.sel $0xFFFF  }
0xc5: {  	[dreg:$0x0] =	wrdreg $0xFFFFFFFF;
	(pc) =	sbr.abs _section_cstart, $3  }
0xc6: {  	[dreg:$0x1] =	wrdreg $0xFFFFFFFF  }
0xc7: {  	_ =	task.clear_ibuf [dreg:s7], $0x2FFFF;
	_ =	strace $0x9FFFFFFF  }
0xc8: {  	(tm) =	ssettm $0x7FFFFFFF  }
0xc9: {  	_ =	shalt  }
tec
execute0_lowered:
.L_overlay_start_1:
0x0: {  	(tag) =	ssettag $0x1  }
0x1: {  	s2 =	rddreg [dreg:$0x0]  }
0x2: {  	s4 =	rddreg [dreg:$0x1];
	s3 =	simm.s32 $0x0  }
0x3: {  	[smem:$0x7FF] =	sst s3;
	s7 =	sadd.s32 $0x800, s4  }
0x4: {  	s23 =	simm.s32 $0x800;
	_ =	strace $0x80000047;
	[dreg:$0x3] =	wrdreg s7  }
0x5: {  	s24 =	simm.s32 $0x1280;
	[dreg:$0x6] =	wrdreg s23  }
0x6: {  	s25 =	simm.s32 $0x1A80;
	[dreg:$0x7] =	wrdreg s24  }
0x7: {  	s0 =	stileid.u32;
	s26 =	simm.s32 $0x2280;
	[dreg:$0x8] =	wrdreg s25  }
0x8: {  	s5 =	sshll.u32 s0, $0x1;
	s0 =	simm.s32 $0x2A80;
	[dreg:$0x9] =	wrdreg s26  }
0x9: {  	s8 =	simm.s32 $0x4A80;
	[dreg:$0xa] =	wrdreg s0  }
0xa: {  	s9 =	simm.s32 $0x5280;
	[dreg:$0xe] =	wrdreg s8  }
0xb: {  	s10 =	simm.s32 $0x5A80;
	[dreg:$0xf] =	wrdreg s9  }
0xc: {  	s11 =	simm.s32 $0x6280;
	[dreg:$0x10] =	wrdreg s10  }
0xd: {  	s12 =	simm.s32 $0x6A80;
	[dreg:$0x11] =	wrdreg s11  }
0xe: {  	s13 =	simm.s32 $0x7280;
	[dreg:$0x12] =	wrdreg s12  }
0xf: {  	s1 =	srdreg.scid;
	s14 =	simm.s32 $0x7A80;
	[dreg:$0x13] =	wrdreg s13  }
0x10: {  	s15 =	simm.s32 $0x8280;
	s16 =	simm.s32 $0x8A80;
	[dreg:$0x14] =	wrdreg s14  }
0x11: {  	s17 =	simm.s32 $0x9280;
	s18 =	simm.s32 $0x9A80;
	[dreg:$0x15] =	wrdreg s15  }
0x12: {  	s20 =	simm.s32 $0xA280;
	s21 =	simm.s32 $0xAA80;
	[dreg:$0x16] =	wrdreg s16  }
0x13: {  	s28 =	simm.s32 $0x16A80;
	s29 =	simm.s32 $0x17280;
	[dreg:$0x17] =	wrdreg s17  }
0x14: {  	s30 =	simm.s32 $0x17A80;
	s1 =	sand.u32 $0x1, s1;
	[dreg:$0x18] =	wrdreg s18  }
0x15: {  	s31 =	simm.s32 $0x18280;
	s5 =	sor.u32 s1, s5;
	[dreg:$0x19] =	wrdreg s20  }
0x16: {  	s7 =	simm.s32 $0x4280;
	s1 =	ssub.s32 $0x2, s1;
	[dreg:$0x1a] =	wrdreg s21  }
0x17: {  	s23 =	simm.s32 $0xBA80;
	s24 =	simm.s32 $0xC280;
	s25 =	simm.s32 $0xCA80  }
0x18: {  	s8 =	simm.s32 $0xA80;
	s26 =	simm.s32 $0xD280;
	s10 =	simm.s32 $0xE280  }
0x19: {  	s11 =	simm.s32 $0xEA80;
	s12 =	simm.s32 $0xF280;
	s13 =	simm.s32 $0xFA80  }
0x1a: {  	s14 =	simm.s32 $0x10280;
	s15 =	simm.s32 $0x10A80;
	s16 =	simm.s32 $0x11280  }
0x1b: {  	s17 =	simm.s32 $0x11A80;
	s18 =	simm.s32 $0x12280;
	[dreg:$0xd] =	wrdreg s7  }
0x1c: {  	s20 =	simm.s32 $0x13280;
	s21 =	simm.s32 $0x13A80;
	[dreg:$0x1c] =	wrdreg s23  }
0x1d: {  	s6 =	sshll.u32 s5, $0x6;
	s5 =	smul.u32 $0x3000, s5;
	[dreg:$0x1d] =	wrdreg s24  }
0x1e: {  	s19 =	sshrl.u32 s1, $0x1;
	s7 =	simm.s32 $0x2;
	[dreg:$0x1e] =	wrdreg s25  }
0x1f: {  	[dreg:$0x1f] =	wrdreg s26;
	s23 =	simm.s32 $0x14A80;
	s24 =	simm.s32 $0x15280  }
0x20: {  	s25 =	simm.s32 $0x15A80;
	s26 =	simm.s32 $0x16280;
	s6 =	sadd.s32 s6, s4  }
0x21: {  	s1 =	ssub.s32 s1, s19;
	s19 =	simm.s32 $0x12A80;
	s22 =	sadd.s32 $0xA00, s6  }
0x22: {  	v0 =	vlaneseq.u32;
	s4 =	sadd.s32 s5, s4;
	s5 =	simm.s32 $0x3280;
	[dreg:$0x4] =	wrdreg s22  }
0x23: {  	vm0 =	vmmov $0xffff;
	v1 =	vor.u32 $0x10, v0;
	v2 =	vor.u32 $0x20, v0;
	s6 =	simm.s32 $0x3A80;
	s4 =	sadd.s32 $0x1200, s4;
	[dreg:$0xb] =	wrdreg s5  }
0x24: {  	v3 =	vor.u32 $0x30, v0;
	v4 =	vor.u32 $0x40, v0;
	v5 =	vor.u32 $0x50, v0;
	[dreg:$0xc] =	wrdreg s6;
	s22 =	simm.s32 $0xB280;
	s5 =	sadd.s32 $0x200, s2  }
0x25: {  	v6 =	vor.u32 $0x60, v0;
	v7 =	vor.u32 $0x70, v0;
	v9 =	vshrl.u32 v0, $0x3;
	s6 =	smax.u32 s1, $0x1;
	s1 =	simm.s32 $0x1;
	[dreg:$0x5] =	wrdreg s4  }
0x26: {  	v8 =	vand.u32 $0x7, v0;
	v10 =	vor.u32 $0x8, v0;
	v9 =	vmul.u32 $0x8, v9;
	s4 =	sadd.s32 $0x100, s2;
	[dreg:$0x1b] =	wrdreg s22;
	s22 =	simm.s32 $0x14280  }
.LBB2_1:
0x27: {  	s0 =	rddreg [dreg:$0x3]  }
0x28: {  	[tilespmem:s3], [sflag:$0x2] =	stream.linear.gather [hbm4b:s0+s3], $0x800, $0x38;
	[tilespmem:$0x18A80] =	vst v63  }
0x29: {  	_ =	swait.ge [sflag:s7], $0x800  }
0x2a: {  	s0 =	rddreg [dreg:$0x4];
	[sflag:s7] =	ssyncset.done $0x0  }
0x2b: {  	s9 =	rddreg [dreg:$0x6];
	[sflag:s7] =	ssyncadd.s32 $0xFFFFF800  }
0x2c: {  	[tilespmem:s9], [sflag:$0x2] =	stream.linear.gather [hbm4b:s0+s3], $0x200, $0x38;
	[tilespmem:$0x18A80] =	vst v63  }
0x2d: {  	_ =	swait.ge [sflag:s7], $0x200  }
0x2e: {  	[sflag:s7] =	ssyncset.done $0x0  }
0x2f: {  	[sflag:s7] =	ssyncadd.s32 $0xFFFFFE00  }
0x30: {  	v11 =	vld [tilespmem:$0x800];
	_ =	sdelay $0x4  }
0x31: {  	v12 =	vadd.s32 v0, v11  }
0x32: {  	vm1 =	vgt.s32 v12, $0x0  }
0x33: {  	v12 =	vnsel vm1, $0x0, v12  }
0x34: {  	v12 =	vmin.u32 v12, $0x7FF;
	_ =	sdelay $0x2  }
0x35: {  	v13 =	vld [tilespmem:$0x880]  }
0x36: {  	v14 =	vld [tilespmem:$0x900];
	v15 =	vadd.s32 v1, v11  }
0x37: {  	vm1 =	vgt.s32 v15, $0x0;
	v12 =	vld.idx.msk [tilespmem:v12+s3+$0x0], $0xffff  }
0x38: {  	v15 =	vnsel vm1, $0x0, v15  }
0x39: {  	v15 =	vmin.u32 v15, $0x7FF;
	_ =	sdelay $0x1  }
0x3a: {  	v16 =	vadd.s32 v0, v14;
	vm1 =	vgt.s32 v13, v0  }
0x3b: {  	v12 =	vsel vm1, v12, v16  }
0x3c: {  	v44 =	vadd.s32 v2, v11;
	[tilespmem:$0xA00] =	vst v12  }
0x3d: {  	vm1 =	vgt.s32 v44, $0x0;
	v15 =	vld.idx.msk [tilespmem:v15+s3+$0x0], $0xffff  }
0x3e: {  	v16 =	vnsel vm1, $0x0, v44  }
0x3f: {  	v16 =	vmin.u32 v16, $0x7FF;
	_ =	sdelay $0x1  }
0x40: {  	v17 =	vadd.s32 v1, v14;
	vm1 =	vgt.s32 v13, v1  }
0x41: {  	v15 =	vsel vm1, v15, v17  }
0x42: {  	v45 =	vadd.s32 v3, v11;
	[tilespmem:$0xA10] =	vst v15  }
0x43: {  	vm1 =	vgt.s32 v45, $0x0;
	v16 =	vld.idx.msk [tilespmem:v16+s3+$0x0], $0xffff  }
0x44: {  	v15 =	vnsel vm1, $0x0, v45  }
0x45: {  	v15 =	vmin.u32 v15, $0x7FF;
	_ =	sdelay $0x1  }
0x46: {  	v46 =	vadd.s32 v2, v14;
	vm1 =	vgt.s32 v13, v2  }
0x47: {  	v16 =	vsel vm1, v16, v46  }
0x48: {  	v47 =	vadd.s32 v4, v11;
	[tilespmem:$0xA20] =	vst v16  }
0x49: {  	vm1 =	vgt.s32 v47, $0x0;
	v15 =	vld.idx.msk [tilespmem:v15+s3+$0x0], $0xffff  }
0x4a: {  	v16 =	vnsel vm1, $0x0, v47  }
0x4b: {  	v16 =	vmin.u32 v16, $0x7FF;
	_ =	sdelay $0x1  }
0x4c: {  	v48 =	vadd.s32 v3, v14;
	vm1 =	vgt.s32 v13, v3  }
0x4d: {  	v15 =	vsel vm1, v15, v48  }
0x4e: {  	v49 =	vadd.s32 v5, v11;
	[tilespmem:$0xA30] =	vst v15  }
0x4f: {  	vm1 =	vgt.s32 v49, $0x0;
	v16 =	vld.idx.msk [tilespmem:v16+s3+$0x0], $0xffff  }
0x50: {  	v15 =	vnsel vm1, $0x0, v49  }
0x51: {  	v15 =	vmin.u32 v15, $0x7FF;
	_ =	sdelay $0x1  }
0x52: {  	v50 =	vadd.s32 v4, v14;
	vm1 =	vgt.s32 v13, v4  }
0x53: {  	v16 =	vsel vm1, v16, v50  }
0x54: {  	v51 =	vadd.s32 v6, v11;
	[tilespmem:$0xA40] =	vst v16  }
0x55: {  	vm1 =	vgt.s32 v51, $0x0;
	v15 =	vld.idx.msk [tilespmem:v15+s3+$0x0], $0xffff  }
0x56: {  	v16 =	vnsel vm1, $0x0, v51  }
0x57: {  	v16 =	vmin.u32 v16, $0x7FF;
	_ =	sdelay $0x1  }
0x58: {  	v52 =	vadd.s32 v5, v14;
	vm1 =	vgt.s32 v13, v5  }
0x59: {  	v15 =	vsel vm1, v15, v52  }
0x5a: {  	v11 =	vadd.s32 v7, v11;
	[tilespmem:$0xA50] =	vst v15  }
0x5b: {  	vm1 =	vgt.s32 v11, $0x0;
	v15 =	vld.idx.msk [tilespmem:v16+s3+$0x0], $0xffff  }
0x5c: {  	v11 =	vnsel vm1, $0x0, v11  }
0x5d: {  	v11 =	vmin.u32 v11, $0x7FF  }
0x5e: {  	v53 =	vshrl.u32 v12, $0x3  }
0x5f: {  	v54 =	vadd.s32 v6, v14;
	vm1 =	vgt.s32 v13, v6;
	v16 =	vmul.u32 $0x30, v53  }
0x60: {  	v12 =	vand.u32 $0x7, v12;
	v15 =	vsel vm1, v15, v54  }
0x61: {  	v12 =	vor.u32 v12, v16;
	[tilespmem:$0xA60] =	vst v15  }
0x62: {  	v55 =	vperm.xlane v12, v8;
	v11 =	vld.idx.msk [tilespmem:v11+s3+$0x0], $0xffff;
	_ =	sdelay $0x1  }
0x63: {  	v15 =	vadd.s32 v9, v55;
	_ =	sdelay $0x1  }
0x64: {  	v56 =	vadd.s32 v7, v14;
	vm1 =	vgt.s32 v13, v7  }
0x65: {  	v11 =	vsel vm1, v11, v56  }
0x66: {  	[tilespmem:$0xA70] =	vst v11;
	v11 =	vperm.xlane v12, v10  }
0x67: {  	[tilespmem:s8], [sflag:$0x1] =	stream.indirect_vreg.gather [hbm4b:s2+s3], $0x80, v15, vm0, $0xb8;
	[tilespmem:$0x18A80] =	vst v63  }
0x68: {  	s0 =	rddreg [dreg:$0x7];
	v11 =	vadd.s32 v9, v11  }
0x69: {  	[tilespmem:s0], [sflag:$0x1] =	stream.indirect_vreg.gather [hbm4b:s4+s3], $0x80, v15, vm0, $0xb8;
	[tilespmem:$0x18A80] =	vst v63  }
0x6a: {  	s9 =	rddreg [dreg:$0x8]  }
0x6b: {  	[tilespmem:s9], [sflag:$0x1] =	stream.indirect_vreg.gather [hbm4b:s5+s3], $0x80, v15, vm0, $0xb8;
	[tilespmem:$0x18A80] =	vst v63  }
0x6c: {  	s0 =	rddreg [dreg:$0x9]  }
0x6d: {  	[tilespmem:s0], [sflag:$0x1] =	stream.indirect_vreg.gather [hbm4b:s2+s3], $0x80, v11, vm0, $0xb8;
	[tilespmem:$0x18A80] =	vst v63  }
0x6e: {  	s9 =	rddreg [dreg:$0xa]  }
0x6f: {  	[tilespmem:s9], [sflag:$0x1] =	stream.indirect_vreg.gather [hbm4b:s4+s3], $0x80, v11, vm0, $0xb8;
	[tilespmem:$0x18A80] =	vst v63  }
0x70: {  	s0 =	rddreg [dreg:$0xb]  }
0x71: {  	[tilespmem:s0], [sflag:$0x1] =	stream.indirect_vreg.gather [hbm4b:s5+s3], $0x80, v11, vm0, $0xb8;
	[tilespmem:$0x18A80] =	vst v63  }
0x72: {  	v11 =	vld [tilespmem:$0xA10];
	_ =	sdelay $0x4  }
0x73: {  	v57 =	vshrl.u32 v11, $0x3  }
0x74: {  	v12 =	vmul.u32 $0x30, v57  }
0x75: {  	v11 =	vand.u32 $0x7, v11  }
0x76: {  	v11 =	vor.u32 v11, v12  }
0x77: {  	v12 =	vperm.xlane v11, v8;
	_ =	sdelay $0x1  }
0x78: {  	v12 =	vadd.s32 v9, v12;
	_ =	sdelay $0x3  }
0x79: {  	s0 =	rddreg [dreg:$0xc];
	v11 =	vperm.xlane v11, v10  }
0x7a: {  	[tilespmem:s0], [sflag:$0x1] =	stream.indirect_vreg.gather [hbm4b:s2+s3], $0x80, v12, vm0, $0xb8;
	[tilespmem:$0x18A80] =	vst v63  }
0x7b: {  	s9 =	rddreg [dreg:$0xd];
	v11 =	vadd.s32 v9, v11  }
0x7c: {  	[tilespmem:s9], [sflag:$0x1] =	stream.indirect_vreg.gather [hbm4b:s4+s3], $0x80, v12, vm0, $0xb8;
	[tilespmem:$0x18A80] =	vst v63  }
0x7d: {  	s0 =	rddreg [dreg:$0xe]  }
0x7e: {  	[tilespmem:s0], [sflag:$0x1] =	stream.indirect_vreg.gather [hbm4b:s5+s3], $0x80, v12, vm0, $0xb8;
	[tilespmem:$0x18A80] =	vst v63  }
0x7f: {  	s9 =	rddreg [dreg:$0xf]  }
0x80: {  	[tilespmem:s9], [sflag:$0x1] =	stream.indirect_vreg.gather [hbm4b:s2+s3], $0x80, v11, vm0, $0xb8;
	[tilespmem:$0x18A80] =	vst v63  }
0x81: {  	s0 =	rddreg [dreg:$0x10]  }
0x82: {  	[tilespmem:s0], [sflag:$0x1] =	stream.indirect_vreg.gather [hbm4b:s4+s3], $0x80, v11, vm0, $0xb8;
	[tilespmem:$0x18A80] =	vst v63  }
0x83: {  	s9 =	rddreg [dreg:$0x11]  }
0x84: {  	[tilespmem:s9], [sflag:$0x1] =	stream.indirect_vreg.gather [hbm4b:s5+s3], $0x80, v11, vm0, $0xb8;
	[tilespmem:$0x18A80] =	vst v63  }
0x85: {  	v11 =	vld [tilespmem:$0xA20];
	_ =	sdelay $0x4  }
0x86: {  	v58 =	vshrl.u32 v11, $0x3  }
0x87: {  	v12 =	vmul.u32 $0x30, v58  }
0x88: {  	v11 =	vand.u32 $0x7, v11  }
0x89: {  	v11 =	vor.u32 v11, v12  }
0x8a: {  	v12 =	vperm.xlane v11, v8;
	_ =	sdelay $0x1  }
0x8b: {  	v12 =	vadd.s32 v9, v12;
	_ =	sdelay $0x3  }
0x8c: {  	s0 =	rddreg [dreg:$0x12];
	v11 =	vperm.xlane v11, v10  }
0x8d: {  	[tilespmem:s0], [sflag:$0x1] =	stream.indirect_vreg.gather [hbm4b:s2+s3], $0x80, v12, vm0, $0xb8;
	[tilespmem:$0x18A80] =	vst v63  }
0x8e: {  	s9 =	rddreg [dreg:$0x13];
	v11 =	vadd.s32 v9, v11  }
0x8f: {  	[tilespmem:s9], [sflag:$0x1] =	stream.indirect_vreg.gather [hbm4b:s4+s3], $0x80, v12, vm0, $0xb8;
	[tilespmem:$0x18A80] =	vst v63  }
0x90: {  	s0 =	rddreg [dreg:$0x14]  }
0x91: {  	[tilespmem:s0], [sflag:$0x1] =	stream.indirect_vreg.gather [hbm4b:s5+s3], $0x80, v12, vm0, $0xb8;
	[tilespmem:$0x18A80] =	vst v63  }
0x92: {  	s9 =	rddreg [dreg:$0x15]  }
0x93: {  	[tilespmem:s9], [sflag:$0x1] =	stream.indirect_vreg.gather [hbm4b:s2+s3], $0x80, v11, vm0, $0xb8;
	[tilespmem:$0x18A80] =	vst v63  }
0x94: {  	s0 =	rddreg [dreg:$0x16]  }
0x95: {  	[tilespmem:s0], [sflag:$0x1] =	stream.indirect_vreg.gather [hbm4b:s4+s3], $0x80, v11, vm0, $0xb8;
	[tilespmem:$0x18A80] =	vst v63  }
0x96: {  	s9 =	rddreg [dreg:$0x17]  }
0x97: {  	[tilespmem:s9], [sflag:$0x1] =	stream.indirect_vreg.gather [hbm4b:s5+s3], $0x80, v11, vm0, $0xb8;
	[tilespmem:$0x18A80] =	vst v63  }
0x98: {  	v11 =	vld [tilespmem:$0xA30];
	_ =	sdelay $0x4  }
0x99: {  	v59 =	vshrl.u32 v11, $0x3  }
0x9a: {  	v12 =	vmul.u32 $0x30, v59  }
0x9b: {  	v11 =	vand.u32 $0x7, v11  }
0x9c: {  	v11 =	vor.u32 v11, v12  }
0x9d: {  	v12 =	vperm.xlane v11, v8;
	_ =	sdelay $0x1  }
0x9e: {  	v12 =	vadd.s32 v9, v12;
	_ =	sdelay $0x3  }
0x9f: {  	s0 =	rddreg [dreg:$0x18];
	v11 =	vperm.xlane v11, v10  }
0xa0: {  	[tilespmem:s0], [sflag:$0x1] =	stream.indirect_vreg.gather [hbm4b:s2+s3], $0x80, v12, vm0, $0xb8;
	[tilespmem:$0x18A80] =	vst v63  }
0xa1: {  	s9 =	rddreg [dreg:$0x19];
	v11 =	vadd.s32 v9, v11  }
0xa2: {  	[tilespmem:s9], [sflag:$0x1] =	stream.indirect_vreg.gather [hbm4b:s4+s3], $0x80, v12, vm0, $0xb8;
	[tilespmem:$0x18A80] =	vst v63  }
0xa3: {  	s0 =	rddreg [dreg:$0x1a]  }
0xa4: {  	[tilespmem:s0], [sflag:$0x1] =	stream.indirect_vreg.gather [hbm4b:s5+s3], $0x80, v12, vm0, $0xb8;
	[tilespmem:$0x18A80] =	vst v63  }
0xa5: {  	s9 =	rddreg [dreg:$0x1b]  }
0xa6: {  	[tilespmem:s9], [sflag:$0x1] =	stream.indirect_vreg.gather [hbm4b:s2+s3], $0x80, v11, vm0, $0xb8;
	[tilespmem:$0x18A80] =	vst v63  }
0xa7: {  	s0 =	rddreg [dreg:$0x1c]  }
0xa8: {  	[tilespmem:s0], [sflag:$0x1] =	stream.indirect_vreg.gather [hbm4b:s4+s3], $0x80, v11, vm0, $0xb8;
	[tilespmem:$0x18A80] =	vst v63  }
0xa9: {  	s9 =	rddreg [dreg:$0x1d]  }
0xaa: {  	[tilespmem:s9], [sflag:$0x1] =	stream.indirect_vreg.gather [hbm4b:s5+s3], $0x80, v11, vm0, $0xb8;
	[tilespmem:$0x18A80] =	vst v63  }
0xab: {  	v11 =	vld [tilespmem:$0xA40];
	_ =	sdelay $0x4  }
0xac: {  	v60 =	vshrl.u32 v11, $0x3  }
0xad: {  	v12 =	vmul.u32 $0x30, v60  }
0xae: {  	v11 =	vand.u32 $0x7, v11  }
0xaf: {  	v11 =	vor.u32 v11, v12  }
0xb0: {  	v12 =	vperm.xlane v11, v8;
	_ =	sdelay $0x1  }
0xb1: {  	v12 =	vadd.s32 v9, v12;
	_ =	sdelay $0x3  }
0xb2: {  	s0 =	rddreg [dreg:$0x1e];
	v11 =	vperm.xlane v11, v10  }
0xb3: {  	[tilespmem:s0], [sflag:$0x1] =	stream.indirect_vreg.gather [hbm4b:s2+s3], $0x80, v12, vm0, $0xb8;
	[tilespmem:$0x18A80] =	vst v63  }
0xb4: {  	s9 =	rddreg [dreg:$0x1f];
	v11 =	vadd.s32 v9, v11  }
0xb5: {  	[tilespmem:s9], [sflag:$0x1] =	stream.indirect_vreg.gather [hbm4b:s4+s3], $0x80, v12, vm0, $0xb8;
	[tilespmem:$0x18A80] =	vst v63  }
0xb6: {  	s9 =	simm.s32 $0xDA80  }
0xb7: {  	[tilespmem:s9], [sflag:$0x1] =	stream.indirect_vreg.gather [hbm4b:s5+s3], $0x80, v12, vm0, $0xb8;
	[tilespmem:$0x18A80] =	vst v63  }
0xb8: {  	_ = 	snop  }
0xb9: {  	[tilespmem:s10], [sflag:$0x1] =	stream.indirect_vreg.gather [hbm4b:s2+s3], $0x80, v11, vm0, $0xb8;
	[tilespmem:$0x18A80] =	vst v63  }
0xba: {  	_ = 	snop  }
0xbb: {  	[tilespmem:s11], [sflag:$0x1] =	stream.indirect_vreg.gather [hbm4b:s4+s3], $0x80, v11, vm0, $0xb8;
	[tilespmem:$0x18A80] =	vst v63  }
0xbc: {  	_ = 	snop  }
0xbd: {  	[tilespmem:s12], [sflag:$0x1] =	stream.indirect_vreg.gather [hbm4b:s5+s3], $0x80, v11, vm0, $0xb8;
	[tilespmem:$0x18A80] =	vst v63  }
0xbe: {  	v11 =	vld [tilespmem:$0xA50];
	_ =	sdelay $0x4  }
0xbf: {  	v61 =	vshrl.u32 v11, $0x3  }
0xc0: {  	v12 =	vmul.u32 $0x30, v61  }
0xc1: {  	v11 =	vand.u32 $0x7, v11  }
0xc2: {  	v11 =	vor.u32 v11, v12  }
0xc3: {  	v12 =	vperm.xlane v11, v8;
	_ =	sdelay $0x1  }
0xc4: {  	v12 =	vadd.s32 v9, v12;
	_ =	sdelay $0x3  }
0xc5: {  	v11 =	vperm.xlane v11, v10  }
0xc6: {  	[tilespmem:s13], [sflag:$0x1] =	stream.indirect_vreg.gather [hbm4b:s2+s3], $0x80, v12, vm0, $0xb8;
	[tilespmem:$0x18A80] =	vst v63  }
0xc7: {  	v11 =	vadd.s32 v9, v11  }
0xc8: {  	[tilespmem:s14], [sflag:$0x1] =	stream.indirect_vreg.gather [hbm4b:s4+s3], $0x80, v12, vm0, $0xb8;
	[tilespmem:$0x18A80] =	vst v63  }
0xc9: {  	_ = 	snop  }
0xca: {  	[tilespmem:s15], [sflag:$0x1] =	stream.indirect_vreg.gather [hbm4b:s5+s3], $0x80, v12, vm0, $0xb8;
	[tilespmem:$0x18A80] =	vst v63  }
0xcb: {  	_ = 	snop  }
0xcc: {  	[tilespmem:s16], [sflag:$0x1] =	stream.indirect_vreg.gather [hbm4b:s2+s3], $0x80, v11, vm0, $0xb8;
	[tilespmem:$0x18A80] =	vst v63  }
0xcd: {  	_ = 	snop  }
0xce: {  	[tilespmem:s17], [sflag:$0x1] =	stream.indirect_vreg.gather [hbm4b:s4+s3], $0x80, v11, vm0, $0xb8;
	[tilespmem:$0x18A80] =	vst v63  }
0xcf: {  	_ = 	snop  }
0xd0: {  	[tilespmem:s18], [sflag:$0x1] =	stream.indirect_vreg.gather [hbm4b:s5+s3], $0x80, v11, vm0, $0xb8;
	[tilespmem:$0x18A80] =	vst v63  }
0xd1: {  	v11 =	vld [tilespmem:$0xA60];
	_ =	sdelay $0x4  }
0xd2: {  	v62 =	vshrl.u32 v11, $0x3  }
0xd3: {  	v12 =	vmul.u32 $0x30, v62  }
0xd4: {  	v11 =	vand.u32 $0x7, v11  }
0xd5: {  	v11 =	vor.u32 v11, v12  }
0xd6: {  	v12 =	vperm.xlane v11, v8;
	_ =	sdelay $0x1  }
0xd7: {  	v12 =	vadd.s32 v9, v12;
	_ =	sdelay $0x3  }
0xd8: {  	v11 =	vperm.xlane v11, v10  }
0xd9: {  	[tilespmem:s19], [sflag:$0x1] =	stream.indirect_vreg.gather [hbm4b:s2+s3], $0x80, v12, vm0, $0xb8;
	[tilespmem:$0x18A80] =	vst v63  }
0xda: {  	v11 =	vadd.s32 v9, v11  }
0xdb: {  	[tilespmem:s20], [sflag:$0x1] =	stream.indirect_vreg.gather [hbm4b:s4+s3], $0x80, v12, vm0, $0xb8;
	[tilespmem:$0x18A80] =	vst v63  }
0xdc: {  	_ = 	snop  }
0xdd: {  	[tilespmem:s21], [sflag:$0x1] =	stream.indirect_vreg.gather [hbm4b:s5+s3], $0x80, v12, vm0, $0xb8;
	[tilespmem:$0x18A80] =	vst v63  }
0xde: {  	_ = 	snop  }
0xdf: {  	[tilespmem:s22], [sflag:$0x1] =	stream.indirect_vreg.gather [hbm4b:s2+s3], $0x80, v11, vm0, $0xb8;
	[tilespmem:$0x18A80] =	vst v63  }
0xe0: {  	_ = 	snop  }
0xe1: {  	[tilespmem:s23], [sflag:$0x1] =	stream.indirect_vreg.gather [hbm4b:s4+s3], $0x80, v11, vm0, $0xb8;
	[tilespmem:$0x18A80] =	vst v63  }
0xe2: {  	_ = 	snop  }
0xe3: {  	[tilespmem:s24], [sflag:$0x1] =	stream.indirect_vreg.gather [hbm4b:s5+s3], $0x80, v11, vm0, $0xb8;
	[tilespmem:$0x18A80] =	vst v63  }
0xe4: {  	v11 =	vld [tilespmem:$0xA70];
	_ =	sdelay $0x4  }
0xe5: {  	v63 =	vshrl.u32 v11, $0x3  }
0xe6: {  	v12 =	vmul.u32 $0x30, v63  }
0xe7: {  	v11 =	vand.u32 $0x7, v11  }
0xe8: {  	v11 =	vor.u32 v11, v12  }
0xe9: {  	v12 =	vperm.xlane v11, v8;
	_ =	sdelay $0x1  }
0xea: {  	v12 =	vadd.s32 v9, v12;
	_ =	sdelay $0x3  }
0xeb: {  	v11 =	vperm.xlane v11, v10  }
0xec: {  	[tilespmem:s25], [sflag:$0x1] =	stream.indirect_vreg.gather [hbm4b:s2+s3], $0x80, v12, vm0, $0xb8;
	[tilespmem:$0x18A80] =	vst v63  }
0xed: {  	v11 =	vadd.s32 v9, v11  }
0xee: {  	[tilespmem:s26], [sflag:$0x1] =	stream.indirect_vreg.gather [hbm4b:s4+s3], $0x80, v12, vm0, $0xb8;
	[tilespmem:$0x18A80] =	vst v63  }
0xef: {  	_ = 	snop  }
0xf0: {  	[tilespmem:s28], [sflag:$0x1] =	stream.indirect_vreg.gather [hbm4b:s5+s3], $0x80, v12, vm0, $0xb8;
	[tilespmem:$0x18A80] =	vst v63  }
0xf1: {  	_ = 	snop  }
0xf2: {  	[tilespmem:s29], [sflag:$0x1] =	stream.indirect_vreg.gather [hbm4b:s2+s3], $0x80, v11, vm0, $0xb8;
	[tilespmem:$0x18A80] =	vst v63  }
0xf3: {  	_ = 	snop  }
0xf4: {  	[tilespmem:s30], [sflag:$0x1] =	stream.indirect_vreg.gather [hbm4b:s4+s3], $0x80, v11, vm0, $0xb8;
	[tilespmem:$0x18A80] =	vst v63  }
0xf5: {  	_ = 	snop  }
0xf6: {  	[tilespmem:s31], [sflag:$0x1] =	stream.indirect_vreg.gather [hbm4b:s5+s3], $0x80, v11, vm0, $0xb8;
	[tilespmem:$0x18A80] =	vst v63  }
0xf7: {  	_ =	swait.ge [sflag:s1], $0x18000  }
0xf8: {  	p0 =	sne.s32 s6, $0x1;
	[sflag:s1] =	ssyncset.done $0x0  }
.Ltmp0:
0xf9: {  	s9 =	rddreg [dreg:$0x5];
	[sflag:s1] =	ssyncadd.s32 $0xFFFE8000;
	(pc) =	sbr.rel @p0 .LBB2_1-.Ltmp0, $4  }
0xfa: {  	[hbm4b:s9+s3] =	stream.linear.scatter [tilespmem:s8], [sflag:$0x2], $0x18000, $0x38;
	[tilespmem:$0x18A80] =	vst v63  }
0xfb: {  	_ =	swait.ge [sflag:s7], $0x18000  }
0xfc: {  	[sflag:s7] =	ssyncset.done $0x0  }
0xfd: {  	s6 =	sadd.s32 $0xFFFFFFFF, s6;
	[sflag:s7] =	ssyncadd.s32 $0xFFFE8000  }
0xfe: {  	_ =	sfence.sel $0x180000  }
0xff: {  	[bflag:$0x0] =	sbarrier.arrive $0xFFFF  }
0x100: {  	_ =	strace $0x90000047  }
0x101: {  	s0 =	stileid.u32;
	[bflag:$0x2] =	sbarrier.arrive $0xFFFF  }
0x102: {  	p0 =	sne.s32 s0, $0x0;
	s0 =	rddreg [dreg:$0x2]  }
0x103: {  	s0 =	sadd.s32 @!p0 $0x100000, s0  }
0x104: {  	[sflag:s0] =	ssyncadd.tile.s32 @!p0 $0x1;
	_ =	shalt  }
.Lfunc_end2:
_tile_overlayer_lowered:
.L_overlay_start_2:
0x105: {  	(tag) =	ssettag $0x2  }
0x106: {  	s0 =	rddreg [dreg:$0x0];
	s2 =	stileid.u32  }
0x107: {  	s1 =	rddreg [dreg:$0x1];
	p0 =	sne.s32 s2, $0x0  }
0x108: {  	s3 =	rddreg [dreg:$0x2];
	[bflag:$0x3] =	sbarrier.arrive $0xFFFF;
	s2 =	simm.s32 @!p0 $0x1C02  }
0x109: {  	[timem:s3], [sflag:s2] =	dma.local @!p0 [hbm:s0], s1  }
0x10a: {  	s0 =	simm.s32 @!p0 $0x2  }
0x10b: {  	_ =	swait.ge @!p0 [sflag:s0], s1  }
0x10c: {  	s1 =	ssub.s32 @!p0 $0x0, s1;
	[sflag:s0] =	ssyncset.done @!p0 $0x0  }
0x10d: {  	[sflag:s0] =	ssyncadd.s32 @!p0 s1  }
0x10e: {  	[bflag:$0x3] =	sbarrier.arrive $0xFFFF  }
0x10f: {  	_ =	shalt  }

// kernel: kernel.9.cloned.1.call-start
scs
__scs_entry_jumppad:
0x0: {  	(pc) =	sbr.rel $0x88, $3  }
0x1: {  	(tag) =	ssettag $0x0;
	lr =	simm.s32 $0x1  }
0x2: {  	[smem:$0x3F91] =	sst lr;
	_ =	strace $0xD0000000  }
0x3: {  	_ = 	snop  }
0x4: {  	_ = 	snop  }
0x5: {  	_ = 	snop  }
0x6: {  	_ = 	snop  }
0x7: {  	_ = 	snop  }
__scs_overlays_trampoline_lowered:
0x8: {  	[smem:$0x3FA0] =	sst s0  }
0x9: {  	[smem:$0x3FA1] =	sst s1  }
0xa: {  	[smem:$0x3FA2] =	sst s2  }
0xb: {  	[smem:$0x3FA3] =	sst s3  }
0xc: {  	[smem:$0x3FA4] =	sst s4  }
0xd: {  	[smem:$0x3FA5] =	sst s5  }
0xe: {  	[smem:$0x3FA6] =	sst s6  }
0xf: {  	[smem:$0x3FA7] =	sst s7  }
0x10: {  	[smem:$0x3FA8] =	sst s8  }
0x11: {  	[smem:$0x3FA9] =	sst s9;
	s0 =	simm.s32 @!p0 $0x0  }
0x12: {  	s1 =	sld [smem:$0x3F8F];
	s0 =	simm.s32 @p0 $0x1  }
0x13: {  	[smem:$0x3FAA] =	sst s0;
	s0 =	simm.s32 @!p1 $0x0  }
0x14: {  	s2 =	sld [smem:$0x3F8E];
	s0 =	simm.s32 @p1 $0x1  }
0x15: {  	[smem:$0x3FAB] =	sst s0;
	s0 =	simm.s32 @!p2 $0x0  }
0x16: {  	s3 =	sld [smem:$0x3FDB];
	s0 =	simm.s32 @p2 $0x1  }
0x17: {  	s4 =	simm.s32 $0x1BF5;
	[smem:$0x3FAD] =	sst s0  }
0x18: {  	s0 =	sld [smem:$0x3F90];
	_ =	swait.ge [sflag:s4], $0x0  }
0x19: {  	s7 =	sld [smem:$0x3F91]  }
0x1a: {  	s8 =	sadd.s32 $0xFFFFE003, lr  }
0x1b: {  	s9 =	sadd.s32 $0xFFFFFEF7, lr;
	s5 =	simm.s32 $0xFFFFFFFF;
	p2 =	slt.u32 s8, $0xFFFFF086  }
0x1c: {  	p1 =	slt.u32 s9, $0xF7A;
	s5 =	simm.s32 @!p2 $0x0  }
0x1d: {  	s5 =	simm.s32 @p1 $0x1;
	p0 =	seq.s32 s7, s2  }
0x1e: {  	s7 =	smul.u32 @!p0 $0xF7A, s2;
	p2 =	seq.s32 @!p0 s5, $0x0  }
0x1f: {  	s9 =	smul.u32 $0xF7A, s1;
	s8 =	simm.s32 @!p0 $0x1BF5;
	p2 =	por !p2, p0  }
0x20: {  	[sflag:s8] =	ssyncset.s32 @!p0 $0xFFFFF086;
	s6 =	sadd.s32 @!p0 s3, s7;
	s7 =	simm.s32 @!p0 $0x108  }
0x21: {  	s3 =	sadd.s32 s3, s9;
	s6 =	sadd.s32 @!p0 $0x88, s6;
	s7 =	simm.s32 @p2 $0x1082  }
0x22: {  	[simem:s7], [sflag:s8] =	dma.local @!p0 [hbm:s6], $0xF7A  }
0x23: {  	s9 =	sor.u32 $0xD0000000, s2;
	s6 =	simm.s32 $0x108;
	_ =	swait.ge @!p0 [sflag:s8], $0x0  }
0x24: {  	s3 =	sadd.s32 $0x88, s3;
	s6 =	simm.s32 @!p1 $0x1082;
	[sflag:s4] =	ssyncset.s32 $0xFFFFF086  }
0x25: {  	[simem:s6], [sflag:s4] =	dma.local [hbm:s3], $0xF7A  }
0x26: {  	[smem:$0x3F91] =	sst s1;
	(tag) =	ssettag s2;
	_ =	strace s9  }
0x27: {  	s1 =	sld [smem:$0x3FA1]  }
0x28: {  	s2 =	sld [smem:$0x3FA2]  }
0x29: {  	s4 =	sld [smem:$0x3FA4]  }
0x2a: {  	p0 =	seq.s32 s5, $0x0;
	s5 =	sld [smem:$0x3FA5]  }
0x2b: {  	s6 =	sld [smem:$0x3FA6]  }
0x2c: {  	s7 =	sld [smem:$0x3FA7]  }
0x2d: {  	s3 =	simm.s32 $0x108;
	s8 =	sld [smem:$0x3FA8]  }
0x2e: {  	s3 =	simm.s32 @!p0 $0x1082;
	s9 =	sld [smem:$0x3FA9]  }
0x2f: {  	lr =	sadd.s32 s0, s3;
	s0 =	sld [smem:$0x3FA0]  }
0x30: {  	s3 =	sld [smem:$0x3FA3]  }
0x31: {  	[smem:$0x3FAC] =	sst s10  }
0x32: {  	s10 =	sld [smem:$0x3FAA];
	_ =	sdelay $0x3  }
0x33: {  	p0 =	seq.s32 s10, $0x1;
	s10 =	sld [smem:$0x3FAC];
	_ =	sdelay $0x3  }
0x34: {  	[smem:$0x3FAC] =	sst s10  }
0x35: {  	s10 =	sld [smem:$0x3FAB];
	_ =	sdelay $0x3  }
0x36: {  	p1 =	seq.s32 s10, $0x1;
	s10 =	sld [smem:$0x3FAC];
	_ =	sdelay $0x3  }
0x37: {  	[smem:$0x3FAC] =	sst s10  }
0x38: {  	s10 =	sld [smem:$0x3FAD]  }
0x39: {  	_ = 	snop;
	(pc) =	sbr.ind lr, $3  }
0x3a: {  	_ = 	snop  }
0x3b: {  	_ = 	snop  }
0x3c: {  	p2 =	seq.s32 s10, $0x1;
	s10 =	sld [smem:$0x3FAC]  }
0x3d: {  	_ =	shalt  }
0x3e: {  	_ =	shalt  }
0x3f: {  	_ =	shalt  }
0x40: {  	_ =	shalt  }
0x41: {  	_ =	shalt  }
0x42: {  	_ =	shalt  }
0x43: {  	_ =	shalt  }
0x44: {  	_ =	shalt  }
0x45: {  	_ =	shalt  }
0x46: {  	_ =	shalt  }
0x47: {  	_ =	shalt  }
0x48: {  	_ =	shalt  }
0x49: {  	_ =	shalt  }
0x4a: {  	_ =	shalt  }
0x4b: {  	_ =	shalt  }
0x4c: {  	_ =	shalt  }
0x4d: {  	_ =	shalt  }
0x4e: {  	_ =	shalt  }
0x4f: {  	_ =	shalt  }
0x50: {  	_ =	shalt  }
0x51: {  	_ =	shalt  }
0x52: {  	_ =	shalt  }
0x53: {  	_ =	shalt  }
0x54: {  	_ =	shalt  }
0x55: {  	_ =	shalt  }
0x56: {  	_ =	shalt  }
0x57: {  	_ =	shalt  }
0x58: {  	_ =	shalt  }
0x59: {  	_ =	shalt  }
0x5a: {  	_ =	shalt  }
0x5b: {  	_ =	shalt  }
0x5c: {  	_ =	shalt  }
0x5d: {  	_ =	shalt  }
0x5e: {  	_ =	shalt  }
0x5f: {  	_ =	shalt  }
0x60: {  	_ =	shalt  }
0x61: {  	_ =	shalt  }
0x62: {  	_ =	shalt  }
0x63: {  	_ =	shalt  }
0x64: {  	_ =	shalt  }
0x65: {  	_ =	shalt  }
0x66: {  	_ =	shalt  }
0x67: {  	_ =	shalt  }
0x68: {  	_ =	shalt  }
0x69: {  	_ =	shalt  }
0x6a: {  	_ =	shalt  }
0x6b: {  	_ =	shalt  }
0x6c: {  	_ =	shalt  }
0x6d: {  	_ =	shalt  }
0x6e: {  	_ =	shalt  }
0x6f: {  	_ =	shalt  }
0x70: {  	_ =	shalt  }
0x71: {  	_ =	shalt  }
0x72: {  	_ =	shalt  }
0x73: {  	_ =	shalt  }
0x74: {  	_ =	shalt  }
0x75: {  	_ =	shalt  }
0x76: {  	_ =	shalt  }
0x77: {  	_ =	shalt  }
0x78: {  	_ =	shalt  }
0x79: {  	_ =	shalt  }
0x7a: {  	_ =	shalt  }
0x7b: {  	_ =	shalt  }
0x7c: {  	_ =	shalt  }
0x7d: {  	_ =	shalt  }
0x7e: {  	_ =	shalt  }
0x7f: {  	_ =	shalt  }
0x80: {  	_ =	shalt  }
0x81: {  	_ =	shalt  }
0x82: {  	_ =	shalt  }
0x83: {  	_ =	shalt  }
0x84: {  	_ =	shalt  }
0x85: {  	_ =	shalt  }
0x86: {  	_ =	shalt  }
0x87: {  	_ =	shalt  }
.Lfunc_end0:
.L_simem_size_0:
called_computation.1_lowered:
.L_overlay_start_0:
0x88: {  	s2 =	sld [smem:$0x3FD9]  }
0x89: {  	s3 =	sld [smem:$0x3FFE];
	_ =	sdelay $0x1  }
0x8a: {  	s1 =	srdreg.scid  }
0x8b: {  	s0 =	sand.u32 $0x1, s1  }
0x8c: {  	s14 =	sshll.u32 s0, $0xA;
	s2 =	sadd.s32 s3, s2  }
0x8d: {  	s2 =	sadd.s32 s2, s14  }
0x8e: {  	[smem:$0x3FB8] =	sst s2  }
0x8f: {  	_ = 	snop  }
0x90: {  	s2 =	sld [smem:$0x3FD0];
	_ =	sdelay $0x2  }
0x91: {  	s15 =	simm.s32 $0xA;
	s4 =	simm.s32 $0x10  }
0x92: {  	[smem:s4], [sflag:s15] =	dma.local [hbm:s2], $0x1  }
0x93: {  	_ =	swait.eq [sflag:s15], $0x1  }
0x94: {  	[sflag:s15] =	ssyncset.done $0x0  }
0x95: {  	[sflag:s15] =	ssyncadd.s32 $0xFFFFFFFF  }
0x96: {  	s16 =	sld [smem:$0x10];
	(tm) =	ssettm $0x1  }
0x97: {  	s17 =	sld [smem:$0x3FFB];
	_ =	sdelay $0x3  }
0x98: {  	_ =	strace s17  }
0x99: {  	s3 =	sld [smem:$0x3FFC];
	_ =	sdelay $0x3  }
0x9a: {  	_ =	strace s3  }
0x9b: {  	s3 =	sld [smem:$0x3FFD];
	_ =	sdelay $0x3  }
0x9c: {  	_ =	strace s3  }
0x9d: {  	_ =	strace $0x8FFFFFFF  }
0x9e: {  	s18 =	sld [smem:$0x3FDB];
	_ =	sdelay $0x1  }
0x9f: {  	s19 =	simm.s32 $_scs_section_size  }
0xa0: {  	s5 =	simm.s32 $_size__tile_overlayer_lowered;
	s6 =	simm.s32 $_tile_overlayer_lowered  }
0xa1: {  	s22 =	simm.s32 $0x1BFF;
	s21 =	sshll.u32 s6, $0x1;
	s3 =	sadd.s32 s19, s18  }
0xa2: {  	s7 =	simm.s32 $0x0;
	s20 =	sshll.u32 s5, $0x1;
	s5 =	sadd.s32 s21, s3  }
0xa3: {  	[timem:s7], [sflag:s22] =	dma.local [hbm:s5], s20  }
0xa4: {  	_ =	swait.ge [sflag:s22], s20  }
0xa5: {  	s4 =	ssub.s32 $0x0, s20;
	[sflag:s22] =	ssyncset.done $0x0  }
0xa6: {  	[sflag:s22] =	ssyncadd.s32 s4;
	_ =	sdelay $0x1  }
0xa7: {  	s23 =	simm.s32 $0x1B8B  }
0xa8: {  	_ =	swait.ge [sflag:s23], $0x1  }
0xa9: {  	[sflag:s23] =	ssyncset.done $0x0  }
0xaa: {  	s25 =	simm.s32 $0x1B8E;
	s24 =	sld [smem:$0x3FFE];
	[sflag:s23] =	ssyncadd.s32 $0xFFFFFFFF  }
0xab: {  	s26 =	simm.s32 $execute0_lowered;
	[smem:$0x3FD2] =	sst s25  }
0xac: {  	s5 =	sshll.u32 s26, $0x1;
	_ =	strace $0x80000049;
	[dreg:$0x1] =	wrdreg $0xFFFFFFFF  }
0xad: {  	s28 =	simm.s32 $_size_execute0_lowered;
	s3 =	sadd.s32 s3, s5;
	[dreg:$0x0] =	wrdreg $0x0  }
0xae: {  	s5 =	sshll.u32 s28, $0x1;
	[dreg:$0x2] =	wrdreg s3  }
0xaf: {  	[dreg:$0x3] =	wrdreg s5  }
0xb0: {  	[dreg:$0x4] =	wrdreg $0xC0  }
0xb1: {  	_ =	task [dreg:s7], $0x5FFFF  }
0xb2: {  	[dreg:$0x1] =	wrdreg $0xFFFFFFFF  }
0xb3: {  	[dreg:$0x0] =	wrdreg $0x60  }
0xb4: {  	[dreg:$0x2] =	wrdreg s24  }
0xb5: {  	[dreg:$0x3] =	wrdreg s16  }
0xb6: {  	[dreg:$0x4] =	wrdreg $0x9  }
0xb7: {  	_ =	task.clear_ibuf [dreg:s7], $0x5FFFF;
	_ =	strace $0x90000049  }
0xb8: {  	s29 =	simm.s32 $0x9;
	_ =	strace $0x8000004B  }
0xb9: {  	_ =	swait.ge [sflag:s29], $0x1  }
0xba: {  	[sflag:s29] =	ssyncadd.s32 $0xFFFFFFFF  }
0xbb: {  	_ =	strace $0x9000004B  }
0xbc: {  	_ =	sfence  }
0xbd: {  	s30 =	sld [smem:$0x0];
	_ =	sdelay $0x2  }
0xbe: {  	s31 =	sshll.u32 s1, $0xD;
	s1 =	sshrl.u32 s1, $0x2  }
0xbf: {  	s3 =	sand.u32 $0x4000, s31;
	s1 =	sadd.s32 s1, s30  }
0xc0: {  	s0 =	sor.u32 s3, s0;
	s1 =	sshll.u32 s1, $0x11  }
0xc1: {  	s0 =	sor.u32 s1, s0  }
0xc2: {  	s0 =	sadd.s32 $0x8F2B, s0  }
0xc3: {  	[sflag:s0] =	ssyncadd.remote.s32 $0x1  }
0xc4: {  	_ =	sfence.sel $0xFFFF  }
0xc5: {  	[dreg:$0x0] =	wrdreg $0xFFFFFFFF;
	(pc) =	sbr.abs _section_cstart, $3  }
0xc6: {  	[dreg:$0x1] =	wrdreg $0xFFFFFFFF  }
0xc7: {  	_ =	task.clear_ibuf [dreg:s7], $0x2FFFF;
	_ =	strace $0x9FFFFFFF  }
0xc8: {  	(tm) =	ssettm $0x7FFFFFFF  }
0xc9: {  	_ =	shalt  }
tec
execute0_lowered:
.L_overlay_start_1:
0x0: {  	(tag) =	ssettag $0x1  }
0x1: {  	s1 =	rddreg [dreg:$0x0];
	s2 =	srdreg.scid  }
0x2: {  	s3 =	rddreg [dreg:$0x1];
	s4 =	sand.u32 $0x1, s2;
	s2 =	simm.s32 $0x0  }
0x3: {  	s7 =	sadd.s32 $0x800, s1;
	[smem:$0x7FF] =	sst s2  }
0x4: {  	s23 =	simm.s32 $0x800;
	_ =	strace $0x8000004A;
	[dreg:$0x3] =	wrdreg s7  }
0x5: {  	s24 =	simm.s32 $0x1280;
	[dreg:$0x6] =	wrdreg s23  }
0x6: {  	s25 =	simm.s32 $0x1A80;
	[dreg:$0x7] =	wrdreg s24  }
0x7: {  	s0 =	stileid.u32;
	s26 =	simm.s32 $0x2280;
	[dreg:$0x8] =	wrdreg s25  }
0x8: {  	s5 =	sshll.u32 s0, $0x1;
	s0 =	simm.s32 $0x2A80;
	[dreg:$0x9] =	wrdreg s26  }
0x9: {  	s8 =	simm.s32 $0x4A80;
	[dreg:$0xa] =	wrdreg s0  }
0xa: {  	s9 =	simm.s32 $0x5280;
	[dreg:$0xe] =	wrdreg s8  }
0xb: {  	s10 =	simm.s32 $0x5A80;
	[dreg:$0xf] =	wrdreg s9  }
0xc: {  	s11 =	simm.s32 $0x6280;
	[dreg:$0x10] =	wrdreg s10  }
0xd: {  	s12 =	simm.s32 $0x6A80;
	[dreg:$0x11] =	wrdreg s11  }
0xe: {  	s13 =	simm.s32 $0x7280;
	s14 =	simm.s32 $0x7A80;
	[dreg:$0x12] =	wrdreg s12  }
0xf: {  	s15 =	simm.s32 $0x8280;
	s16 =	simm.s32 $0x8A80;
	[dreg:$0x13] =	wrdreg s13  }
0x10: {  	s17 =	simm.s32 $0x9280;
	s18 =	simm.s32 $0x9A80;
	[dreg:$0x14] =	wrdreg s14  }
0x11: {  	s20 =	simm.s32 $0xA280;
	s21 =	simm.s32 $0xAA80;
	[dreg:$0x15] =	wrdreg s15  }
0x12: {  	s28 =	simm.s32 $0x16A80;
	s29 =	simm.s32 $0x17280;
	[dreg:$0x16] =	wrdreg s16  }
0x13: {  	s30 =	simm.s32 $0x17A80;
	s31 =	simm.s32 $0x18280;
	[dreg:$0x17] =	wrdreg s17  }
0x14: {  	s5 =	sor.u32 s4, s5;
	s4 =	ssub.s32 $0x2, s4;
	[dreg:$0x18] =	wrdreg s18  }
0x15: {  	s6 =	smul.u32 $0x3000, s5;
	s5 =	sshll.u32 s5, $0x6;
	[dreg:$0x19] =	wrdreg s20  }
0x16: {  	s7 =	simm.s32 $0x4280;
	s19 =	sshrl.u32 s4, $0x1;
	[dreg:$0x1a] =	wrdreg s21  }
0x17: {  	s23 =	simm.s32 $0xBA80;
	s24 =	simm.s32 $0xC280;
	s25 =	simm.s32 $0xCA80  }
0x18: {  	s8 =	simm.s32 $0xA80;
	s26 =	simm.s32 $0xD280;
	s10 =	simm.s32 $0xE280  }
0x19: {  	s11 =	simm.s32 $0xEA80;
	s12 =	simm.s32 $0xF280;
	s13 =	simm.s32 $0xFA80  }
0x1a: {  	s14 =	simm.s32 $0x10280;
	s15 =	simm.s32 $0x10A80;
	[dreg:$0xd] =	wrdreg s7  }
0x1b: {  	s16 =	simm.s32 $0x11280;
	s17 =	simm.s32 $0x11A80;
	[dreg:$0x1c] =	wrdreg s23  }
0x1c: {  	s18 =	simm.s32 $0x12280;
	s20 =	simm.s32 $0x13280;
	[dreg:$0x1d] =	wrdreg s24  }
0x1d: {  	s21 =	simm.s32 $0x13A80;
	s3 =	sadd.s32 s3, s5;
	[dreg:$0x1e] =	wrdreg s25  }
0x1e: {  	s5 =	simm.s32 $0x3280;
	s7 =	simm.s32 $0x2;
	[dreg:$0x1f] =	wrdreg s26  }
0x1f: {  	s23 =	simm.s32 $0x14A80;
	s24 =	simm.s32 $0x15280;
	s25 =	simm.s32 $0x15A80  }
0x20: {  	s26 =	simm.s32 $0x16280;
	s6 =	sadd.s32 s6, s1;
	[dreg:$0x4] =	wrdreg s3  }
0x21: {  	v0 =	vlaneseq.u32;
	[dreg:$0xb] =	wrdreg s5;
	s3 =	sadd.s32 $0x60A00, s1;
	s22 =	sadd.s32 $0xA00, s6  }
0x22: {  	vm0 =	vmmov $0xffff;
	v1 =	vor.u32 $0x10, v0;
	v2 =	vor.u32 $0x20, v0;
	s5 =	sadd.s32 $0x60C00, s1;
	s6 =	simm.s32 $0x3A80;
	[dreg:$0x5] =	wrdreg s22  }
0x23: {  	v3 =	vor.u32 $0x30, v0;
	v4 =	vor.u32 $0x40, v0;
	v5 =	vor.u32 $0x50, v0;
	[dreg:$0xc] =	wrdreg s6;
	s6 =	ssub.s32 s4, s19;
	s4 =	sadd.s32 $0x60B00, s1  }
0x24: {  	v6 =	vor.u32 $0x60, v0;
	v7 =	vor.u32 $0x70, v0;
	v9 =	vshrl.u32 v0, $0x3;
	s22 =	simm.s32 $0xB280;
	s19 =	simm.s32 $0x12A80;
	s1 =	simm.s32 $0x1  }
0x25: {  	v8 =	vand.u32 $0x7, v0;
	v10 =	vor.u32 $0x8, v0;
	v9 =	vmul.u32 $0x8, v9;
	[dreg:$0x1b] =	wrdreg s22;
	s6 =	smax.u32 s6, $0x1;
	s22 =	simm.s32 $0x14280  }
.LBB2_1:
0x26: {  	s0 =	rddreg [dreg:$0x3]  }
0x27: {  	[tilespmem:s2], [sflag:$0x2] =	stream.linear.gather [hbm4b:s0+s2], $0x800, $0x38;
	[tilespmem:$0x18A80] =	vst v63  }
0x28: {  	_ =	swait.ge [sflag:s7], $0x800  }
0x29: {  	s0 =	rddreg [dreg:$0x4];
	[sflag:s7] =	ssyncset.done $0x0  }
0x2a: {  	s9 =	rddreg [dreg:$0x6];
	[sflag:s7] =	ssyncadd.s32 $0xFFFFF800  }
0x2b: {  	[tilespmem:s9], [sflag:$0x2] =	stream.linear.gather [hbm4b:s0+s2], $0x200, $0x38;
	[tilespmem:$0x18A80] =	vst v63  }
0x2c: {  	_ =	swait.ge [sflag:s7], $0x200  }
0x2d: {  	[sflag:s7] =	ssyncset.done $0x0  }
0x2e: {  	[sflag:s7] =	ssyncadd.s32 $0xFFFFFE00  }
0x2f: {  	v11 =	vld [tilespmem:$0x800];
	_ =	sdelay $0x4  }
0x30: {  	v12 =	vadd.s32 v0, v11  }
0x31: {  	vm1 =	vgt.s32 v12, $0x0  }
0x32: {  	v12 =	vnsel vm1, $0x0, v12  }
0x33: {  	v12 =	vmin.u32 v12, $0x7FF;
	_ =	sdelay $0x2  }
0x34: {  	v13 =	vld [tilespmem:$0x880]  }
0x35: {  	v14 =	vld [tilespmem:$0x900];
	v15 =	vadd.s32 v1, v11  }
0x36: {  	vm1 =	vgt.s32 v15, $0x0;
	v12 =	vld.idx.msk [tilespmem:v12+s2+$0x0], $0xffff  }
0x37: {  	v15 =	vnsel vm1, $0x0, v15  }
0x38: {  	v15 =	vmin.u32 v15, $0x7FF;
	_ =	sdelay $0x1  }
0x39: {  	v16 =	vadd.s32 v0, v14;
	vm1 =	vgt.s32 v13, v0  }
0x3a: {  	v12 =	vsel vm1, v12, v16  }
0x3b: {  	v44 =	vadd.s32 v2, v11;
	[tilespmem:$0xA00] =	vst v12  }
0x3c: {  	vm1 =	vgt.s32 v44, $0x0;
	v15 =	vld.idx.msk [tilespmem:v15+s2+$0x0], $0xffff  }
0x3d: {  	v12 =	vnsel vm1, $0x0, v44  }
0x3e: {  	v12 =	vmin.u32 v12, $0x7FF;
	_ =	sdelay $0x1  }
0x3f: {  	v45 =	vadd.s32 v1, v14;
	vm1 =	vgt.s32 v13, v1  }
0x40: {  	v15 =	vsel vm1, v15, v45  }
0x41: {  	v46 =	vadd.s32 v3, v11;
	[tilespmem:$0xA10] =	vst v15  }
0x42: {  	vm1 =	vgt.s32 v46, $0x0;
	v12 =	vld.idx.msk [tilespmem:v12+s2+$0x0], $0xffff  }
0x43: {  	v15 =	vnsel vm1, $0x0, v46  }
0x44: {  	v15 =	vmin.u32 v15, $0x7FF;
	_ =	sdelay $0x1  }
0x45: {  	v47 =	vadd.s32 v2, v14;
	vm1 =	vgt.s32 v13, v2  }
0x46: {  	v12 =	vsel vm1, v12, v47  }
0x47: {  	v48 =	vadd.s32 v4, v11;
	[tilespmem:$0xA20] =	vst v12  }
0x48: {  	vm1 =	vgt.s32 v48, $0x0;
	v15 =	vld.idx.msk [tilespmem:v15+s2+$0x0], $0xffff  }
0x49: {  	v12 =	vnsel vm1, $0x0, v48  }
0x4a: {  	v12 =	vmin.u32 v12, $0x7FF;
	_ =	sdelay $0x1  }
0x4b: {  	v49 =	vadd.s32 v3, v14;
	vm1 =	vgt.s32 v13, v3  }
0x4c: {  	v15 =	vsel vm1, v15, v49  }
0x4d: {  	v50 =	vadd.s32 v5, v11;
	[tilespmem:$0xA30] =	vst v15  }
0x4e: {  	vm1 =	vgt.s32 v50, $0x0;
	v12 =	vld.idx.msk [tilespmem:v12+s2+$0x0], $0xffff  }
0x4f: {  	v15 =	vnsel vm1, $0x0, v50  }
0x50: {  	v15 =	vmin.u32 v15, $0x7FF;
	_ =	sdelay $0x1  }
0x51: {  	v51 =	vadd.s32 v4, v14;
	vm1 =	vgt.s32 v13, v4  }
0x52: {  	v12 =	vsel vm1, v12, v51  }
0x53: {  	v52 =	vadd.s32 v6, v11;
	[tilespmem:$0xA40] =	vst v12  }
0x54: {  	vm1 =	vgt.s32 v52, $0x0;
	v15 =	vld.idx.msk [tilespmem:v15+s2+$0x0], $0xffff  }
0x55: {  	v12 =	vnsel vm1, $0x0, v52  }
0x56: {  	v12 =	vmin.u32 v12, $0x7FF;
	_ =	sdelay $0x1  }
0x57: {  	v53 =	vadd.s32 v5, v14;
	vm1 =	vgt.s32 v13, v5  }
0x58: {  	v15 =	vsel vm1, v15, v53  }
0x59: {  	v11 =	vadd.s32 v7, v11;
	[tilespmem:$0xA50] =	vst v15  }
0x5a: {  	vm1 =	vgt.s32 v11, $0x0;
	v12 =	vld.idx.msk [tilespmem:v12+s2+$0x0], $0xffff  }
0x5b: {  	v11 =	vnsel vm1, $0x0, v11  }
0x5c: {  	v11 =	vmin.u32 v11, $0x7FF;
	_ =	sdelay $0x1  }
0x5d: {  	v54 =	vadd.s32 v6, v14;
	vm1 =	vgt.s32 v13, v6  }
0x5e: {  	v12 =	vsel vm1, v12, v54  }
0x5f: {  	[tilespmem:$0xA60] =	vst v12  }
0x60: {  	v11 =	vld.idx.msk [tilespmem:v11+s2+$0x0], $0xffff;
	_ =	sdelay $0x3  }
0x61: {  	v55 =	vadd.s32 v7, v14;
	vm1 =	vgt.s32 v13, v7  }
0x62: {  	v11 =	vsel vm1, v11, v55  }
0x63: {  	s9 =	rddreg [dreg:$0x5];
	[tilespmem:$0xA70] =	vst v11  }
0x64: {  	[tilespmem:s8], [sflag:$0x2] =	stream.linear.gather [hbm4b:s9+s2], $0x18000, $0x38;
	[tilespmem:$0x18A80] =	vst v63  }
0x65: {  	_ =	swait.ge [sflag:s7], $0x18000  }
0x66: {  	[sflag:s7] =	ssyncset.done $0x0  }
0x67: {  	[sflag:s7] =	ssyncadd.s32 $0xFFFE8000  }
0x68: {  	v11 =	vld [tilespmem:$0xA00];
	_ =	sdelay $0x4  }
0x69: {  	v56 =	vshrl.u32 v11, $0x3  }
0x6a: {  	v12 =	vmul.u32 $0x30, v56  }
0x6b: {  	v11 =	vand.u32 $0x7, v11  }
0x6c: {  	v11 =	vor.u32 v11, v12  }
0x6d: {  	v12 =	vperm.xlane v11, v8;
	_ =	sdelay $0x1  }
0x6e: {  	v12 =	vadd.s32 v9, v12;
	_ =	sdelay $0x3  }
0x6f: {  	v11 =	vperm.xlane v11, v10  }
0x70: {  	[hbm4b:s3+s2] =	stream.indirect_vreg.scatter [tilespmem:s8], [sflag:$0x1], $0x80, v12, vm0, $0xb8;
	[tilespmem:$0x18A80] =	vst v63  }
0x71: {  	s0 =	rddreg [dreg:$0x7];
	v11 =	vadd.s32 v9, v11  }
0x72: {  	[hbm4b:s4+s2] =	stream.indirect_vreg.scatter [tilespmem:s0], [sflag:$0x1], $0x80, v12, vm0, $0xb8;
	[tilespmem:$0x18A80] =	vst v63  }
0x73: {  	s9 =	rddreg [dreg:$0x8]  }
0x74: {  	[hbm4b:s5+s2] =	stream.indirect_vreg.scatter [tilespmem:s9], [sflag:$0x1], $0x80, v12, vm0, $0xb8;
	[tilespmem:$0x18A80] =	vst v63  }
0x75: {  	s0 =	rddreg [dreg:$0x9]  }
0x76: {  	[hbm4b:s3+s2] =	stream.indirect_vreg.scatter [tilespmem:s0], [sflag:$0x1], $0x80, v11, vm0, $0xb8;
	[tilespmem:$0x18A80] =	vst v63  }
0x77: {  	s9 =	rddreg [dreg:$0xa]  }
0x78: {  	[hbm4b:s4+s2] =	stream.indirect_vreg.scatter [tilespmem:s9], [sflag:$0x1], $0x80, v11, vm0, $0xb8;
	[tilespmem:$0x18A80] =	vst v63  }
0x79: {  	s0 =	rddreg [dreg:$0xb]  }
0x7a: {  	[hbm4b:s5+s2] =	stream.indirect_vreg.scatter [tilespmem:s0], [sflag:$0x1], $0x80, v11, vm0, $0xb8;
	[tilespmem:$0x18A80] =	vst v63  }
0x7b: {  	v11 =	vld [tilespmem:$0xA10];
	_ =	sdelay $0x4  }
0x7c: {  	v57 =	vshrl.u32 v11, $0x3  }
0x7d: {  	v12 =	vmul.u32 $0x30, v57  }
0x7e: {  	v11 =	vand.u32 $0x7, v11  }
0x7f: {  	v11 =	vor.u32 v11, v12  }
0x80: {  	v12 =	vperm.xlane v11, v8;
	_ =	sdelay $0x1  }
0x81: {  	v12 =	vadd.s32 v9, v12;
	_ =	sdelay $0x3  }
0x82: {  	s0 =	rddreg [dreg:$0xc];
	v11 =	vperm.xlane v11, v10  }
0x83: {  	[hbm4b:s3+s2] =	stream.indirect_vreg.scatter [tilespmem:s0], [sflag:$0x1], $0x80, v12, vm0, $0xb8;
	[tilespmem:$0x18A80] =	vst v63  }
0x84: {  	s9 =	rddreg [dreg:$0xd];
	v11 =	vadd.s32 v9, v11  }
0x85: {  	[hbm4b:s4+s2] =	stream.indirect_vreg.scatter [tilespmem:s9], [sflag:$0x1], $0x80, v12, vm0, $0xb8;
	[tilespmem:$0x18A80] =	vst v63  }
0x86: {  	s0 =	rddreg [dreg:$0xe]  }
0x87: {  	[hbm4b:s5+s2] =	stream.indirect_vreg.scatter [tilespmem:s0], [sflag:$0x1], $0x80, v12, vm0, $0xb8;
	[tilespmem:$0x18A80] =	vst v63  }
0x88: {  	s9 =	rddreg [dreg:$0xf]  }
0x89: {  	[hbm4b:s3+s2] =	stream.indirect_vreg.scatter [tilespmem:s9], [sflag:$0x1], $0x80, v11, vm0, $0xb8;
	[tilespmem:$0x18A80] =	vst v63  }
0x8a: {  	s0 =	rddreg [dreg:$0x10]  }
0x8b: {  	[hbm4b:s4+s2] =	stream.indirect_vreg.scatter [tilespmem:s0], [sflag:$0x1], $0x80, v11, vm0, $0xb8;
	[tilespmem:$0x18A80] =	vst v63  }
0x8c: {  	s9 =	rddreg [dreg:$0x11]  }
0x8d: {  	[hbm4b:s5+s2] =	stream.indirect_vreg.scatter [tilespmem:s9], [sflag:$0x1], $0x80, v11, vm0, $0xb8;
	[tilespmem:$0x18A80] =	vst v63  }
0x8e: {  	v11 =	vld [tilespmem:$0xA20];
	_ =	sdelay $0x4  }
0x8f: {  	v58 =	vshrl.u32 v11, $0x3  }
0x90: {  	v12 =	vmul.u32 $0x30, v58  }
0x91: {  	v11 =	vand.u32 $0x7, v11  }
0x92: {  	v11 =	vor.u32 v11, v12  }
0x93: {  	v12 =	vperm.xlane v11, v8;
	_ =	sdelay $0x1  }
0x94: {  	v12 =	vadd.s32 v9, v12;
	_ =	sdelay $0x3  }
0x95: {  	s0 =	rddreg [dreg:$0x12];
	v11 =	vperm.xlane v11, v10  }
0x96: {  	[hbm4b:s3+s2] =	stream.indirect_vreg.scatter [tilespmem:s0], [sflag:$0x1], $0x80, v12, vm0, $0xb8;
	[tilespmem:$0x18A80] =	vst v63  }
0x97: {  	s9 =	rddreg [dreg:$0x13];
	v11 =	vadd.s32 v9, v11  }
0x98: {  	[hbm4b:s4+s2] =	stream.indirect_vreg.scatter [tilespmem:s9], [sflag:$0x1], $0x80, v12, vm0, $0xb8;
	[tilespmem:$0x18A80] =	vst v63  }
0x99: {  	s0 =	rddreg [dreg:$0x14]  }
0x9a: {  	[hbm4b:s5+s2] =	stream.indirect_vreg.scatter [tilespmem:s0], [sflag:$0x1], $0x80, v12, vm0, $0xb8;
	[tilespmem:$0x18A80] =	vst v63  }
0x9b: {  	s9 =	rddreg [dreg:$0x15]  }
0x9c: {  	[hbm4b:s3+s2] =	stream.indirect_vreg.scatter [tilespmem:s9], [sflag:$0x1], $0x80, v11, vm0, $0xb8;
	[tilespmem:$0x18A80] =	vst v63  }
0x9d: {  	s0 =	rddreg [dreg:$0x16]  }
0x9e: {  	[hbm4b:s4+s2] =	stream.indirect_vreg.scatter [tilespmem:s0], [sflag:$0x1], $0x80, v11, vm0, $0xb8;
	[tilespmem:$0x18A80] =	vst v63  }
0x9f: {  	s9 =	rddreg [dreg:$0x17]  }
0xa0: {  	[hbm4b:s5+s2] =	stream.indirect_vreg.scatter [tilespmem:s9], [sflag:$0x1], $0x80, v11, vm0, $0xb8;
	[tilespmem:$0x18A80] =	vst v63  }
0xa1: {  	v11 =	vld [tilespmem:$0xA30];
	_ =	sdelay $0x4  }
0xa2: {  	v59 =	vshrl.u32 v11, $0x3  }
0xa3: {  	v12 =	vmul.u32 $0x30, v59  }
0xa4: {  	v11 =	vand.u32 $0x7, v11  }
0xa5: {  	v11 =	vor.u32 v11, v12  }
0xa6: {  	v12 =	vperm.xlane v11, v8;
	_ =	sdelay $0x1  }
0xa7: {  	v12 =	vadd.s32 v9, v12;
	_ =	sdelay $0x3  }
0xa8: {  	s0 =	rddreg [dreg:$0x18];
	v11 =	vperm.xlane v11, v10  }
0xa9: {  	[hbm4b:s3+s2] =	stream.indirect_vreg.scatter [tilespmem:s0], [sflag:$0x1], $0x80, v12, vm0, $0xb8;
	[tilespmem:$0x18A80] =	vst v63  }
0xaa: {  	s9 =	rddreg [dreg:$0x19];
	v11 =	vadd.s32 v9, v11  }
0xab: {  	[hbm4b:s4+s2] =	stream.indirect_vreg.scatter [tilespmem:s9], [sflag:$0x1], $0x80, v12, vm0, $0xb8;
	[tilespmem:$0x18A80] =	vst v63  }
0xac: {  	s0 =	rddreg [dreg:$0x1a]  }
0xad: {  	[hbm4b:s5+s2] =	stream.indirect_vreg.scatter [tilespmem:s0], [sflag:$0x1], $0x80, v12, vm0, $0xb8;
	[tilespmem:$0x18A80] =	vst v63  }
0xae: {  	s9 =	rddreg [dreg:$0x1b]  }
0xaf: {  	[hbm4b:s3+s2] =	stream.indirect_vreg.scatter [tilespmem:s9], [sflag:$0x1], $0x80, v11, vm0, $0xb8;
	[tilespmem:$0x18A80] =	vst v63  }
0xb0: {  	s0 =	rddreg [dreg:$0x1c]  }
0xb1: {  	[hbm4b:s4+s2] =	stream.indirect_vreg.scatter [tilespmem:s0], [sflag:$0x1], $0x80, v11, vm0, $0xb8;
	[tilespmem:$0x18A80] =	vst v63  }
0xb2: {  	s9 =	rddreg [dreg:$0x1d]  }
0xb3: {  	[hbm4b:s5+s2] =	stream.indirect_vreg.scatter [tilespmem:s9], [sflag:$0x1], $0x80, v11, vm0, $0xb8;
	[tilespmem:$0x18A80] =	vst v63  }
0xb4: {  	v11 =	vld [tilespmem:$0xA40];
	_ =	sdelay $0x4  }
0xb5: {  	v60 =	vshrl.u32 v11, $0x3  }
0xb6: {  	v12 =	vmul.u32 $0x30, v60  }
0xb7: {  	v11 =	vand.u32 $0x7, v11  }
0xb8: {  	v11 =	vor.u32 v11, v12  }
0xb9: {  	v12 =	vperm.xlane v11, v8;
	_ =	sdelay $0x1  }
0xba: {  	v12 =	vadd.s32 v9, v12;
	_ =	sdelay $0x3  }
0xbb: {  	s0 =	rddreg [dreg:$0x1e];
	v11 =	vperm.xlane v11, v10  }
0xbc: {  	[hbm4b:s3+s2] =	stream.indirect_vreg.scatter [tilespmem:s0], [sflag:$0x1], $0x80, v12, vm0, $0xb8;
	[tilespmem:$0x18A80] =	vst v63  }
0xbd: {  	s9 =	rddreg [dreg:$0x1f];
	v11 =	vadd.s32 v9, v11  }
0xbe: {  	[hbm4b:s4+s2] =	stream.indirect_vreg.scatter [tilespmem:s9], [sflag:$0x1], $0x80, v12, vm0, $0xb8;
	[tilespmem:$0x18A80] =	vst v63  }
0xbf: {  	s9 =	simm.s32 $0xDA80  }
0xc0: {  	[hbm4b:s5+s2] =	stream.indirect_vreg.scatter [tilespmem:s9], [sflag:$0x1], $0x80, v12, vm0, $0xb8;
	[tilespmem:$0x18A80] =	vst v63  }
0xc1: {  	_ = 	snop  }
0xc2: {  	[hbm4b:s3+s2] =	stream.indirect_vreg.scatter [tilespmem:s10], [sflag:$0x1], $0x80, v11, vm0, $0xb8;
	[tilespmem:$0x18A80] =	vst v63  }
0xc3: {  	_ = 	snop  }
0xc4: {  	[hbm4b:s4+s2] =	stream.indirect_vreg.scatter [tilespmem:s11], [sflag:$0x1], $0x80, v11, vm0, $0xb8;
	[tilespmem:$0x18A80] =	vst v63  }
0xc5: {  	_ = 	snop  }
0xc6: {  	[hbm4b:s5+s2] =	stream.indirect_vreg.scatter [tilespmem:s12], [sflag:$0x1], $0x80, v11, vm0, $0xb8;
	[tilespmem:$0x18A80] =	vst v63  }
0xc7: {  	v11 =	vld [tilespmem:$0xA50];
	_ =	sdelay $0x4  }
0xc8: {  	v61 =	vshrl.u32 v11, $0x3  }
0xc9: {  	v12 =	vmul.u32 $0x30, v61  }
0xca: {  	v11 =	vand.u32 $0x7, v11  }
0xcb: {  	v11 =	vor.u32 v11, v12  }
0xcc: {  	v12 =	vperm.xlane v11, v8;
	_ =	sdelay $0x1  }
0xcd: {  	v12 =	vadd.s32 v9, v12;
	_ =	sdelay $0x3  }
0xce: {  	v11 =	vperm.xlane v11, v10  }
0xcf: {  	[hbm4b:s3+s2] =	stream.indirect_vreg.scatter [tilespmem:s13], [sflag:$0x1], $0x80, v12, vm0, $0xb8;
	[tilespmem:$0x18A80] =	vst v63  }
0xd0: {  	v11 =	vadd.s32 v9, v11  }
0xd1: {  	[hbm4b:s4+s2] =	stream.indirect_vreg.scatter [tilespmem:s14], [sflag:$0x1], $0x80, v12, vm0, $0xb8;
	[tilespmem:$0x18A80] =	vst v63  }
0xd2: {  	_ = 	snop  }
0xd3: {  	[hbm4b:s5+s2] =	stream.indirect_vreg.scatter [tilespmem:s15], [sflag:$0x1], $0x80, v12, vm0, $0xb8;
	[tilespmem:$0x18A80] =	vst v63  }
0xd4: {  	_ = 	snop  }
0xd5: {  	[hbm4b:s3+s2] =	stream.indirect_vreg.scatter [tilespmem:s16], [sflag:$0x1], $0x80, v11, vm0, $0xb8;
	[tilespmem:$0x18A80] =	vst v63  }
0xd6: {  	_ = 	snop  }
0xd7: {  	[hbm4b:s4+s2] =	stream.indirect_vreg.scatter [tilespmem:s17], [sflag:$0x1], $0x80, v11, vm0, $0xb8;
	[tilespmem:$0x18A80] =	vst v63  }
0xd8: {  	_ = 	snop  }
0xd9: {  	[hbm4b:s5+s2] =	stream.indirect_vreg.scatter [tilespmem:s18], [sflag:$0x1], $0x80, v11, vm0, $0xb8;
	[tilespmem:$0x18A80] =	vst v63  }
0xda: {  	v11 =	vld [tilespmem:$0xA60];
	_ =	sdelay $0x4  }
0xdb: {  	v62 =	vshrl.u32 v11, $0x3  }
0xdc: {  	v12 =	vmul.u32 $0x30, v62  }
0xdd: {  	v11 =	vand.u32 $0x7, v11  }
0xde: {  	v11 =	vor.u32 v11, v12  }
0xdf: {  	v12 =	vperm.xlane v11, v8;
	_ =	sdelay $0x1  }
0xe0: {  	v12 =	vadd.s32 v9, v12;
	_ =	sdelay $0x3  }
0xe1: {  	v11 =	vperm.xlane v11, v10  }
0xe2: {  	[hbm4b:s3+s2] =	stream.indirect_vreg.scatter [tilespmem:s19], [sflag:$0x1], $0x80, v12, vm0, $0xb8;
	[tilespmem:$0x18A80] =	vst v63  }
0xe3: {  	v11 =	vadd.s32 v9, v11  }
0xe4: {  	[hbm4b:s4+s2] =	stream.indirect_vreg.scatter [tilespmem:s20], [sflag:$0x1], $0x80, v12, vm0, $0xb8;
	[tilespmem:$0x18A80] =	vst v63  }
0xe5: {  	_ = 	snop  }
0xe6: {  	[hbm4b:s5+s2] =	stream.indirect_vreg.scatter [tilespmem:s21], [sflag:$0x1], $0x80, v12, vm0, $0xb8;
	[tilespmem:$0x18A80] =	vst v63  }
0xe7: {  	_ = 	snop  }
0xe8: {  	[hbm4b:s3+s2] =	stream.indirect_vreg.scatter [tilespmem:s22], [sflag:$0x1], $0x80, v11, vm0, $0xb8;
	[tilespmem:$0x18A80] =	vst v63  }
0xe9: {  	_ = 	snop  }
0xea: {  	[hbm4b:s4+s2] =	stream.indirect_vreg.scatter [tilespmem:s23], [sflag:$0x1], $0x80, v11, vm0, $0xb8;
	[tilespmem:$0x18A80] =	vst v63  }
0xeb: {  	_ = 	snop  }
0xec: {  	[hbm4b:s5+s2] =	stream.indirect_vreg.scatter [tilespmem:s24], [sflag:$0x1], $0x80, v11, vm0, $0xb8;
	[tilespmem:$0x18A80] =	vst v63  }
0xed: {  	v11 =	vld [tilespmem:$0xA70];
	_ =	sdelay $0x4  }
0xee: {  	v63 =	vshrl.u32 v11, $0x3  }
0xef: {  	v12 =	vmul.u32 $0x30, v63  }
0xf0: {  	v11 =	vand.u32 $0x7, v11  }
0xf1: {  	v11 =	vor.u32 v11, v12  }
0xf2: {  	v12 =	vperm.xlane v11, v8;
	_ =	sdelay $0x1  }
0xf3: {  	v12 =	vadd.s32 v9, v12;
	_ =	sdelay $0x3  }
0xf4: {  	v11 =	vperm.xlane v11, v10  }
0xf5: {  	[hbm4b:s3+s2] =	stream.indirect_vreg.scatter [tilespmem:s25], [sflag:$0x1], $0x80, v12, vm0, $0xb8;
	[tilespmem:$0x18A80] =	vst v63  }
0xf6: {  	v11 =	vadd.s32 v9, v11  }
0xf7: {  	[hbm4b:s4+s2] =	stream.indirect_vreg.scatter [tilespmem:s26], [sflag:$0x1], $0x80, v12, vm0, $0xb8;
	[tilespmem:$0x18A80] =	vst v63  }
0xf8: {  	_ = 	snop  }
0xf9: {  	[hbm4b:s5+s2] =	stream.indirect_vreg.scatter [tilespmem:s28], [sflag:$0x1], $0x80, v12, vm0, $0xb8;
	[tilespmem:$0x18A80] =	vst v63  }
0xfa: {  	_ = 	snop  }
0xfb: {  	[hbm4b:s3+s2] =	stream.indirect_vreg.scatter [tilespmem:s29], [sflag:$0x1], $0x80, v11, vm0, $0xb8;
	[tilespmem:$0x18A80] =	vst v63  }
0xfc: {  	p0 =	sne.s32 s6, $0x1  }
0xfd: {  	[hbm4b:s4+s2] =	stream.indirect_vreg.scatter [tilespmem:s30], [sflag:$0x1], $0x80, v11, vm0, $0xb8;
	[tilespmem:$0x18A80] =	vst v63  }
.Ltmp0:
0xfe: {  	_ = 	snop;
	(pc) =	sbr.rel @p0 .LBB2_1-.Ltmp0, $4  }
0xff: {  	[hbm4b:s5+s2] =	stream.indirect_vreg.scatter [tilespmem:s31], [sflag:$0x1], $0x80, v11, vm0, $0xb8;
	[tilespmem:$0x18A80] =	vst v63  }
0x100: {  	_ =	swait.ge [sflag:s1], $0x18000  }
0x101: {  	[sflag:s1] =	ssyncset.done $0x0  }
0x102: {  	s6 =	sadd.s32 $0xFFFFFFFF, s6;
	[sflag:s1] =	ssyncadd.s32 $0xFFFE8000  }
0x103: {  	_ =	sfence.sel $0x180000  }
0x104: {  	[bflag:$0x0] =	sbarrier.arrive $0xFFFF  }
0x105: {  	_ =	strace $0x9000004A  }
0x106: {  	s0 =	stileid.u32;
	[bflag:$0x2] =	sbarrier.arrive $0xFFFF  }
0x107: {  	p0 =	sne.s32 s0, $0x0;
	s0 =	rddreg [dreg:$0x2]  }
0x108: {  	s0 =	sadd.s32 @!p0 $0x100000, s0  }
0x109: {  	[sflag:s0] =	ssyncadd.tile.s32 @!p0 $0x1;
	_ =	shalt  }
.Lfunc_end2:
_tile_overlayer_lowered:
.L_overlay_start_2:
0x10a: {  	(tag) =	ssettag $0x2  }
0x10b: {  	s0 =	rddreg [dreg:$0x0];
	s2 =	stileid.u32  }
0x10c: {  	s1 =	rddreg [dreg:$0x1];
	p0 =	sne.s32 s2, $0x0  }
0x10d: {  	s3 =	rddreg [dreg:$0x2];
	[bflag:$0x3] =	sbarrier.arrive $0xFFFF;
	s2 =	simm.s32 @!p0 $0x1C02  }
0x10e: {  	[timem:s3], [sflag:s2] =	dma.local @!p0 [hbm:s0], s1  }
0x10f: {  	s0 =	simm.s32 @!p0 $0x2  }
0x110: {  	_ =	swait.ge @!p0 [sflag:s0], s1  }
0x111: {  	s1 =	ssub.s32 @!p0 $0x0, s1;
	[sflag:s0] =	ssyncset.done @!p0 $0x0  }
0x112: {  	[sflag:s0] =	ssyncadd.s32 @!p0 s1  }
0x113: {  	[bflag:$0x3] =	sbarrier.arrive $0xFFFF  }
0x114: {  	_ =	shalt  }

</sc_bundles>
